<compile_context>
chip_gen: v7x
topology: tpu7x:2x2x1
jax: 0.10.2.dev20260603
libtpu: 0.0.44.dev20260713+nightly
codegen_flags: <defaults>
</compile_context>

<pallas_src>
import functools

import jax
import jax.numpy as jnp
from jax import lax
from jax.experimental import pallas as pl
from jax.experimental.pallas import tpu as pltpu
from jax.experimental.pallas import tpu_sc as plsc

N = 10000
E = 320000
D = 128

NC = 2
NS = 16
NW = NC * NS
LANE = 128
R = -(-E // (NW * LANE))
CHUNK = R * LANE
E_PAD = NW * CHUNK
N_PAD = 10240

_mesh = plsc.VectorSubcoreMesh(core_axis_name="c", subcore_axis_name="s")


def _bincount_body(src1, src2, ones_h, zeros_h, out, idx_v, val_v, acc1, acc2):
    c = lax.axis_index("c")
    s = lax.axis_index("s")
    tid = c * NS + s

    @pl.when(s == 0)
    def _zero():
        pltpu.sync_copy(zeros_h, acc1)
        pltpu.sync_copy(zeros_h, acc2)

    plsc.subcore_barrier()
    pltpu.sync_copy(ones_h, val_v)

    pltpu.sync_copy(src1.at[tid], idx_v)

    def _scat1(j, carry):
        pltpu.sync_copy(val_v.at[j], acc1.at[idx_v.at[j]], add=True)
        return carry

    lax.fori_loop(0, R, _scat1, 0)
    pltpu.sync_copy(src2.at[tid], idx_v)

    def _scat2(j, carry):
        pltpu.sync_copy(val_v.at[j], acc2.at[idx_v.at[j]], add=True)
        return carry

    lax.fori_loop(0, R, _scat2, 0)

    plsc.subcore_barrier()

    @pl.when(s == 0)
    def _out():
        pltpu.sync_copy(acc1, out.at[c * 2])
        pltpu.sync_copy(acc2, out.at[c * 2 + 1])


_bincount = pl.kernel(
    _bincount_body,
    out_type=jax.ShapeDtypeStruct((4, N_PAD), jnp.float32),
    mesh=_mesh,
    scratch_types=[
        pltpu.VMEM((R, LANE), jnp.int32),
        pltpu.VMEM((R, LANE), jnp.float32),
        pltpu.VMEM_SHARED((N_PAD,), jnp.float32),
        pltpu.VMEM_SHARED((N_PAD,), jnp.float32),
    ],
)


def _edge_body(src1, dst1, src2, dst2, g0h, g1h, g2h, g3h, zeros_h, out,
               si_v, di_v, val_v, g0, g1, g2, g3, a0, a1, a2, a3):
    c = lax.axis_index("c")
    s = lax.axis_index("s")
    tid = c * NS + s

    @pl.when(s == 0)
    def _stage():
        pltpu.sync_copy(zeros_h, a0)
        pltpu.sync_copy(zeros_h, a1)
        pltpu.sync_copy(zeros_h, a2)
        pltpu.sync_copy(zeros_h, a3)
        pltpu.sync_copy(g0h, g0)
        pltpu.sync_copy(g1h, g1)
        pltpu.sync_copy(g2h, g2)
        pltpu.sync_copy(g3h, g3)

    plsc.subcore_barrier()

    def _pass(src, dst, glo, ghi, alo, ahi):
        pltpu.sync_copy(src.at[tid], si_v)
        pltpu.sync_copy(dst.at[tid], di_v)

        def _row(j, carry):
            pltpu.sync_copy(glo.at[si_v.at[j]], val_v.at[j])
            pltpu.sync_copy(val_v.at[j], alo.at[di_v.at[j]], add=True)
            pltpu.sync_copy(ghi.at[si_v.at[j]], val_v.at[j])
            pltpu.sync_copy(val_v.at[j], ahi.at[di_v.at[j]], add=True)
            return carry

        lax.fori_loop(0, R, _row, 0)

    _pass(src1, dst1, g1, g3, a1, a3)
    _pass(src2, dst2, g0, g2, a0, a2)

    plsc.subcore_barrier()

    @pl.when(s == 0)
    def _out():
        pltpu.sync_copy(a0, out.at[c * 4])
        pltpu.sync_copy(a1, out.at[c * 4 + 1])
        pltpu.sync_copy(a2, out.at[c * 4 + 2])
        pltpu.sync_copy(a3, out.at[c * 4 + 3])


_edge_scatter = pl.kernel(
    _edge_body,
    out_type=jax.ShapeDtypeStruct((8, N_PAD), jnp.float32),
    mesh=_mesh,
    scratch_types=[
        pltpu.VMEM((R, LANE), jnp.int32),
        pltpu.VMEM((R, LANE), jnp.int32),
        pltpu.VMEM((R, LANE), jnp.float32),
        pltpu.VMEM_SHARED((N_PAD,), jnp.float32),
        pltpu.VMEM_SHARED((N_PAD,), jnp.float32),
        pltpu.VMEM_SHARED((N_PAD,), jnp.float32),
        pltpu.VMEM_SHARED((N_PAD,), jnp.float32),
        pltpu.VMEM_SHARED((N_PAD,), jnp.float32),
        pltpu.VMEM_SHARED((N_PAD,), jnp.float32),
        pltpu.VMEM_SHARED((N_PAD,), jnp.float32),
        pltpu.VMEM_SHARED((N_PAD,), jnp.float32),
    ],
)


def _dense_body(cnt_ref, feat_ref, shuf_ref, w1_ref, b1_ref, w2_ref, b2_ref,
                bw_ref, bb_ref, g_ref, off_ref):
    cnt = cnt_ref[...]
    cnt1 = cnt[0:1] + cnt[2:3]
    cnt2 = cnt[1:2] + cnt[3:4]
    feat = feat_ref[...]
    shuf = shuf_ref[...]
    inv_n = jnp.float32(1.0 / N)
    m1 = jnp.dot(cnt1, feat, preferred_element_type=jnp.float32, precision=lax.Precision.HIGHEST) * inv_n
    m2 = jnp.dot(cnt2, feat, preferred_element_type=jnp.float32, precision=lax.Precision.HIGHEST) * inv_n
    b1 = b1_ref[...]
    b2 = b2_ref[...]
    c1 = jax.nn.sigmoid(jnp.dot(m1, w1_ref[...],
                                preferred_element_type=jnp.float32, precision=lax.Precision.HIGHEST) + b1)
    c2 = jax.nn.sigmoid(jnp.dot(m2, w2_ref[...],
                                preferred_element_type=jnp.float32, precision=lax.Precision.HIGHEST) + b2)
    dn = (((1,), (1,)), ((), ()))
    v1 = lax.dot_general(c1, bw_ref[...], dn,
                         preferred_element_type=jnp.float32, precision=lax.Precision.HIGHEST)
    v2 = lax.dot_general(c2, bw_ref[...], dn,
                         preferred_element_type=jnp.float32, precision=lax.Precision.HIGHEST)
    u_a = lax.dot_general(v1, w2_ref[...], dn,
                          preferred_element_type=jnp.float32, precision=lax.Precision.HIGHEST)
    u_b = lax.dot_general(v2, w1_ref[...], dn,
                          preferred_element_type=jnp.float32, precision=lax.Precision.HIGHEST)
    bb = jnp.sum(bb_ref[...])
    off_a = jnp.sum(b2 * v1) + bb
    off_b = jnp.sum(b1 * v2) + bb
    g_a = jnp.sum(feat * u_a, axis=1)
    g_b = jnp.sum(feat * u_b, axis=1)
    gs_a = jnp.sum(shuf * u_a, axis=1)
    gs_b = jnp.sum(shuf * u_b, axis=1)
    g_ref[...] = jnp.concatenate(
        [g_a[None, :], g_b[None, :], gs_a[None, :], gs_b[None, :]], axis=0)
    offs = jnp.concatenate(
        [jnp.full((1, 1), off_a, jnp.float32),
         jnp.full((1, 1), off_b, jnp.float32),
         jnp.full((1, 1), off_a, jnp.float32),
         jnp.full((1, 1), off_b, jnp.float32)], axis=0)
    off_ref[...] = jnp.broadcast_to(offs, (4, N))


def _combine_body(parts_ref, off_ref, out_ref):
    p = parts_ref[...]
    out_ref[...] = p[0:4] + p[4:8] + off_ref[...]


def kernel(feat, shuf_feat, edge_index, dif_edge_index, W1, b1, W2, b2, Bw, Bb):
    pad = E_PAD - E
    src1 = jnp.pad(edge_index[0], (0, pad), constant_values=N).reshape(NW, R, LANE)
    dst1 = jnp.pad(edge_index[1], (0, pad), constant_values=N).reshape(NW, R, LANE)
    src2 = jnp.pad(dif_edge_index[0], (0, pad), constant_values=N).reshape(NW, R, LANE)
    dst2 = jnp.pad(dif_edge_index[1], (0, pad), constant_values=N).reshape(NW, R, LANE)
    ones = jnp.ones((R, LANE), jnp.float32)
    zeros = jnp.zeros((N_PAD,), jnp.float32)

    cnt_parts = _bincount(src1, src2, ones, zeros)
    cnt = cnt_parts[:, :N]

    g4, off4 = pl.pallas_call(
        _dense_body,
        out_shape=(jax.ShapeDtypeStruct((4, N), jnp.float32),
                   jax.ShapeDtypeStruct((4, N), jnp.float32)),
    )(cnt, feat, shuf_feat, W1, b1.reshape(1, D), W2, b2.reshape(1, D),
      Bw, Bb.reshape(1, 1))

    gp = jnp.pad(g4, ((0, 0), (0, N_PAD - N)))
    parts = _edge_scatter(src1, dst1, src2, dst2,
                          gp[0], gp[1], gp[2], gp[3], zeros)

    out4 = pl.pallas_call(
        _combine_body,
        out_shape=jax.ShapeDtypeStruct((4, N), jnp.float32),
    )(parts[:, :N], off4)

    return out4.reshape(1, 4 * N)

# --- scband reference (transcript-rebuilt; emitter-appended) ---
"""Pipeline reference for scband-model-29592324669787 (READ-ONLY COPY).

The authoritative reference and input builder live on the scoring server;
editing this copy changes nothing except your own understanding.
"""

import jax, jax.numpy as jnp
import numpy as np

N = 10000
E = 320000
D = 128


def setup_inputs(seed: int = 0):
    key = jax.random.key(seed)
    ks = jax.random.split(key, 10)
    feat = jax.random.normal(ks[0], (N, D), dtype=jnp.float32)
    shuf_feat = jax.random.normal(ks[1], (N, D), dtype=jnp.float32)
    edge_index = jax.random.randint(ks[2], (2, E), 0, N, dtype=jnp.int32)
    dif_edge_index = jax.random.randint(ks[3], (2, E), 0, N, dtype=jnp.int32)
    W1 = jax.random.normal(ks[4], (D, D), dtype=jnp.float32) * 0.05
    b1 = jnp.zeros((D,), dtype=jnp.float32)
    W2 = jax.random.normal(ks[5], (D, D), dtype=jnp.float32) * 0.05
    b2 = jnp.zeros((D,), dtype=jnp.float32)
    Bw = jax.random.normal(ks[6], (D, D), dtype=jnp.float32) * 0.05
    Bb = jnp.zeros((1,), dtype=jnp.float32)
    return {"feat": feat, "shuf_feat": shuf_feat, "edge_index": edge_index,
            "dif_edge_index": dif_edge_index, "W1": W1, "b1": b1,
            "W2": W2, "b2": b2, "Bw": Bw, "Bb": Bb}


def _gconv(feat, edge_index, W, b):
    # DGL GraphConv with norm='none': aggregate src features into dst via
    # scatter-add, then linear transform (order is mathematically equivalent).
    src = edge_index[0]
    dst = edge_index[1]
    agg = jnp.zeros(feat.shape, feat.dtype).at[dst].add(feat[src])
    return agg @ W + b


def _bilinear_score(h, c, Bw, Bb):
    # nn.Bilinear(dim, dim, 1): sc[n] = h[n] @ Bw @ c + Bb
    return (h @ Bw) @ c[0] + Bb


def reference(feat, shuf_feat, edge_index, dif_edge_index, W1, b1, W2, b2, Bw, Bb):
    h1 = _gconv(feat, edge_index, W1, b1)
    h2 = _gconv(feat, dif_edge_index, W2, b2)
    c1 = jax.nn.sigmoid(jnp.mean(h1, axis=0, keepdims=True))  # AvgPooling, 1 graph
    c2 = jax.nn.sigmoid(jnp.mean(h2, axis=0, keepdims=True))
    h3 = _gconv(shuf_feat, edge_index, W1, b1)
    h4 = _gconv(shuf_feat, dif_edge_index, W2, b2)
    sc_1 = _bilinear_score(h2, c1, Bw, Bb)
    sc_2 = _bilinear_score(h1, c2, Bw, Bb)
    sc_3 = _bilinear_score(h4, c1, Bw, Bb)
    sc_4 = _bilinear_score(h3, c2, Bw, Bb)
    logits = jnp.concatenate([sc_1, sc_2, sc_3, sc_4])[None, :]  # [1, 4N]
    return logits


if False:  # reference __main__ guard neutralized (emitter)
    out = reference(**setup_inputs())
    print(out.shape)

if __name__ == "__main__":
    import jax
    _d = setup_inputs()
    print(jax.jit(kernel)(*tuple(_d.values())))

</pallas_src>

<mosaic_0001>
#map = affine_map<(d0, d1) -> (0, 0, 0)>
#map1 = affine_map<(d0, d1) -> (0, 0)>
#map2 = affine_map<(d0, d1) -> (0)>
module attributes {stable_mosaic.version = 14 : i64} {
  func.func @_bincount_body(%arg0: i32, %arg1: i32, %arg2: memref<32x79x128xi32, #tpu.memory_space<hbm>>, %arg3: memref<32x79x128xi32, #tpu.memory_space<hbm>>, %arg4: memref<79x128xf32, #tpu.memory_space<hbm>>, %arg5: memref<10240xf32, #tpu.memory_space<hbm>>, %arg6: memref<4x10240xf32, #tpu.memory_space<hbm>>, %arg7: memref<79x128xi32, #tpu.memory_space<vmem>>, %arg8: memref<79x128xf32, #tpu.memory_space<vmem>>, %arg9: memref<10240xf32, #tpu.memory_space<vmem_shared>>, %arg10: memref<10240xf32, #tpu.memory_space<vmem_shared>>) attributes {dimension_semantics = [#tpu.dimension_semantics<core_parallel>, #tpu.dimension_semantics<subcore_parallel>], iteration_bounds = array<i64: 2, 16>, scalar_prefetch = 0 : i64, scratch_operands = 4 : i64, tpu.core_type = #tpu.core_type<sc_vector_subcore>, window_params = [{transform_indices = #map}, {transform_indices = #map}, {transform_indices = #map1}, {transform_indices = #map2}, {transform_indices = #map1}]} {
    %mul3A = arith.constant 16 : i32
    %mul3A_0 = arith.muli %arg0, %mul3A : i32
    %add3A = arith.addi %mul3A_0, %arg1 : i32
    %eq3A = arith.constant 0 : i32
    %eq3A_1 = arith.cmpi eq, %arg1, %eq3A : i32
    %convert_element_type3A = arith.extui %eq3A_1 : i1 to i32
    %cond3A = arith.constant 0 : i32
    %cond3A_2 = arith.cmpi ne, %convert_element_type3A, %cond3A : i32
    scf.if %cond3A_2 {
      "tpu.region"() ({
        %run_scoped3A = tpu.sem_alloc : memref<!tpu.dma_semaphore, #tpu.memory_space<semaphore_mem>>
        tpu.enqueue_dma source(%arg5 : memref<10240xf32, #tpu.memory_space<hbm>>) target(%arg9 : memref<10240xf32, #tpu.memory_space<vmem_shared>>) target_semaphore(%run_scoped3A : memref<!tpu.dma_semaphore, #tpu.memory_space<semaphore_mem>>)
        tpu.wait_dma2 semaphore(%run_scoped3A : memref<!tpu.dma_semaphore, #tpu.memory_space<semaphore_mem>>) src(%arg5 : memref<10240xf32, #tpu.memory_space<hbm>>) dst(%arg9 : memref<10240xf32, #tpu.memory_space<vmem_shared>>)
        tpu.yield
      }) : () -> ()
      "tpu.region"() ({
        %run_scoped3A = tpu.sem_alloc : memref<!tpu.dma_semaphore, #tpu.memory_space<semaphore_mem>>
        tpu.enqueue_dma source(%arg5 : memref<10240xf32, #tpu.memory_space<hbm>>) target(%arg10 : memref<10240xf32, #tpu.memory_space<vmem_shared>>) target_semaphore(%run_scoped3A : memref<!tpu.dma_semaphore, #tpu.memory_space<semaphore_mem>>)
        tpu.wait_dma2 semaphore(%run_scoped3A : memref<!tpu.dma_semaphore, #tpu.memory_space<semaphore_mem>>) src(%arg5 : memref<10240xf32, #tpu.memory_space<hbm>>) dst(%arg10 : memref<10240xf32, #tpu.memory_space<vmem_shared>>)
        tpu.yield
      }) : () -> ()
    } else {
    }
    %barrier3A = arith.constant 0 : index
    tpu.barrier barrier_id(%barrier3A)
    "tpu.region"() ({
      %run_scoped3A = tpu.sem_alloc : memref<!tpu.dma_semaphore, #tpu.memory_space<semaphore_mem>>
      tpu.enqueue_dma source(%arg4 : memref<79x128xf32, #tpu.memory_space<hbm>>) target(%arg8 : memref<79x128xf32, #tpu.memory_space<vmem>>) target_semaphore(%run_scoped3A : memref<!tpu.dma_semaphore, #tpu.memory_space<semaphore_mem>>)
      tpu.wait_dma2 semaphore(%run_scoped3A : memref<!tpu.dma_semaphore, #tpu.memory_space<semaphore_mem>>) src(%arg4 : memref<79x128xf32, #tpu.memory_space<hbm>>) dst(%arg8 : memref<79x128xf32, #tpu.memory_space<vmem>>)
      tpu.yield
    }) : () -> ()
    "tpu.region"() ({
      %run_scoped3A = tpu.sem_alloc : memref<!tpu.dma_semaphore, #tpu.memory_space<semaphore_mem>>
      %dma_start3A = arith.constant 0 : i32
      %dma_start3A_20 = arith.constant 0 : i32
      %dma_start3A_21 = tpu.memref_slice %arg2[%add3A, %dma_start3A, %dma_start3A_20] : memref<32x79x128xi32, #tpu.memory_space<hbm>> -> memref<1x79x128xi32, #tpu.memory_space<hbm>>
      %dma_start3A_22 = tpu.memref_squeeze %dma_start3A_21 : memref<1x79x128xi32, #tpu.memory_space<hbm>> -> memref<79x128xi32, #tpu.memory_space<hbm>>
      %dma_start3A_23 = arith.constant 0 : i32
      %dma_start3A_24 = arith.constant 0 : i32
      %dma_start3A_25 = tpu.memref_slice %arg2[%add3A, %dma_start3A_23, %dma_start3A_24] : memref<32x79x128xi32, #tpu.memory_space<hbm>> -> memref<1x79x128xi32, #tpu.memory_space<hbm>>
      %dma_start3A_26 = tpu.memref_squeeze %dma_start3A_25 : memref<1x79x128xi32, #tpu.memory_space<hbm>> -> memref<79x128xi32, #tpu.memory_space<hbm>>
      tpu.enqueue_dma source(%dma_start3A_26 : memref<79x128xi32, #tpu.memory_space<hbm>>) target(%arg7 : memref<79x128xi32, #tpu.memory_space<vmem>>) target_semaphore(%run_scoped3A : memref<!tpu.dma_semaphore, #tpu.memory_space<semaphore_mem>>)
      %dma_wait3A = arith.constant 0 : i32
      %dma_wait3A_27 = arith.constant 0 : i32
      %dma_wait3A_28 = tpu.memref_slice %arg2[%add3A, %dma_wait3A, %dma_wait3A_27] : memref<32x79x128xi32, #tpu.memory_space<hbm>> -> memref<1x79x128xi32, #tpu.memory_space<hbm>>
      %dma_wait3A_29 = tpu.memref_squeeze %dma_wait3A_28 : memref<1x79x128xi32, #tpu.memory_space<hbm>> -> memref<79x128xi32, #tpu.memory_space<hbm>>
      %dma_wait3A_30 = arith.constant 0 : i32
      %dma_wait3A_31 = arith.constant 0 : i32
      %dma_wait3A_32 = tpu.memref_slice %arg2[%add3A, %dma_wait3A_30, %dma_wait3A_31] : memref<32x79x128xi32, #tpu.memory_space<hbm>> -> memref<1x79x128xi32, #tpu.memory_space<hbm>>
      %dma_wait3A_33 = tpu.memref_squeeze %dma_wait3A_32 : memref<1x79x128xi32, #tpu.memory_space<hbm>> -> memref<79x128xi32, #tpu.memory_space<hbm>>
      tpu.wait_dma2 semaphore(%run_scoped3A : memref<!tpu.dma_semaphore, #tpu.memory_space<semaphore_mem>>) src(%dma_wait3A_33 : memref<79x128xi32, #tpu.memory_space<hbm>>) dst(%arg7 : memref<79x128xi32, #tpu.memory_space<vmem>>)
      tpu.yield
    }) : () -> ()
    %scan3A = arith.constant 0 : i32
    %scan3A_3 = arith.constant 0 : i32
    %scan3A_4 = arith.constant 79 : i32
    %scan3A_5 = arith.addi %scan3A_3, %scan3A_4 : i32
    %scan3A_6 = arith.constant 1 : i32
    scf.for %scan3A_20 = %scan3A_3 to %scan3A_5 step %scan3A_6  : i32 {
      "tpu.region"() ({
        %run_scoped3A = tpu.sem_alloc : memref<!tpu.dma_semaphore, #tpu.memory_space<semaphore_mem>>
        %dma_start3A = arith.constant 0 : i32
        %dma_start3A_21 = tpu.memref_slice %arg8[%scan3A_20, %dma_start3A] : memref<79x128xf32, #tpu.memory_space<vmem>> -> memref<1x128xf32, #tpu.memory_space<vmem>>
        %dma_start3A_22 = tpu.memref_squeeze %dma_start3A_21 : memref<1x128xf32, #tpu.memory_space<vmem>> -> memref<128xf32, #tpu.memory_space<vmem>>
        %dma_start3A_23 = arith.constant 0 : i32
        %dma_start3A_24 = tpu.memref_slice %arg7[%scan3A_20, %dma_start3A_23] : memref<79x128xi32, #tpu.memory_space<vmem>> -> memref<1x128xi32, #tpu.memory_space<vmem>>
        %dma_start3A_25 = tpu.memref_squeeze %dma_start3A_24 : memref<1x128xi32, #tpu.memory_space<vmem>> -> memref<128xi32, #tpu.memory_space<vmem>>
        %dma_start3A_26 = arith.constant 0 : i32
        %dma_start3A_27 = tpu.memref_slice %arg9[%dma_start3A_26] : memref<10240xf32, #tpu.memory_space<vmem_shared>> -> memref<10240xf32, #tpu.memory_space<vmem_shared>>
        tpu.enqueue_indirect_dma source(%dma_start3A_22 : memref<128xf32, #tpu.memory_space<vmem>>) target(%dma_start3A_27 : memref<10240xf32, #tpu.memory_space<vmem_shared>>) offsets(%dma_start3A_25 : memref<128xi32, #tpu.memory_space<vmem>>) semaphore(%run_scoped3A : memref<!tpu.dma_semaphore, #tpu.memory_space<semaphore_mem>>) {add = true}
        %dma_wait3A = arith.constant 0 : i32
        %dma_wait3A_28 = tpu.memref_slice %arg8[%scan3A_20, %dma_wait3A] : memref<79x128xf32, #tpu.memory_space<vmem>> -> memref<1x128xf32, #tpu.memory_space<vmem>>
        %dma_wait3A_29 = tpu.memref_squeeze %dma_wait3A_28 : memref<1x128xf32, #tpu.memory_space<vmem>> -> memref<128xf32, #tpu.memory_space<vmem>>
        %dma_wait3A_30 = arith.constant 0 : i32
        %dma_wait3A_31 = tpu.memref_slice %arg7[%scan3A_20, %dma_wait3A_30] : memref<79x128xi32, #tpu.memory_space<vmem>> -> memref<1x128xi32, #tpu.memory_space<vmem>>
        %dma_wait3A_32 = tpu.memref_squeeze %dma_wait3A_31 : memref<1x128xi32, #tpu.memory_space<vmem>> -> memref<128xi32, #tpu.memory_space<vmem>>
        %dma_wait3A_33 = arith.constant 0 : i32
        %dma_wait3A_34 = tpu.memref_slice %arg9[%dma_wait3A_33] : memref<10240xf32, #tpu.memory_space<vmem_shared>> -> memref<10240xf32, #tpu.memory_space<vmem_shared>>
        tpu.wait_indirect_dma semaphore(%run_scoped3A : memref<!tpu.dma_semaphore, #tpu.memory_space<semaphore_mem>>) src(%dma_wait3A_29 : memref<128xf32, #tpu.memory_space<vmem>>) dst(%dma_wait3A_34 : memref<10240xf32, #tpu.memory_space<vmem_shared>>)
        tpu.yield
      }) : () -> ()
    }
    %scan3A_7 = arith.constant 79 : i32
    "tpu.region"() ({
      %run_scoped3A = tpu.sem_alloc : memref<!tpu.dma_semaphore, #tpu.memory_space<semaphore_mem>>
      %dma_start3A = arith.constant 0 : i32
      %dma_start3A_20 = arith.constant 0 : i32
      %dma_start3A_21 = tpu.memref_slice %arg3[%add3A, %dma_start3A, %dma_start3A_20] : memref<32x79x128xi32, #tpu.memory_space<hbm>> -> memref<1x79x128xi32, #tpu.memory_space<hbm>>
      %dma_start3A_22 = tpu.memref_squeeze %dma_start3A_21 : memref<1x79x128xi32, #tpu.memory_space<hbm>> -> memref<79x128xi32, #tpu.memory_space<hbm>>
      %dma_start3A_23 = arith.constant 0 : i32
      %dma_start3A_24 = arith.constant 0 : i32
      %dma_start3A_25 = tpu.memref_slice %arg3[%add3A, %dma_start3A_23, %dma_start3A_24] : memref<32x79x128xi32, #tpu.memory_space<hbm>> -> memref<1x79x128xi32, #tpu.memory_space<hbm>>
      %dma_start3A_26 = tpu.memref_squeeze %dma_start3A_25 : memref<1x79x128xi32, #tpu.memory_space<hbm>> -> memref<79x128xi32, #tpu.memory_space<hbm>>
      tpu.enqueue_dma source(%dma_start3A_26 : memref<79x128xi32, #tpu.memory_space<hbm>>) target(%arg7 : memref<79x128xi32, #tpu.memory_space<vmem>>) target_semaphore(%run_scoped3A : memref<!tpu.dma_semaphore, #tpu.memory_space<semaphore_mem>>)
      %dma_wait3A = arith.constant 0 : i32
      %dma_wait3A_27 = arith.constant 0 : i32
      %dma_wait3A_28 = tpu.memref_slice %arg3[%add3A, %dma_wait3A, %dma_wait3A_27] : memref<32x79x128xi32, #tpu.memory_space<hbm>> -> memref<1x79x128xi32, #tpu.memory_space<hbm>>
      %dma_wait3A_29 = tpu.memref_squeeze %dma_wait3A_28 : memref<1x79x128xi32, #tpu.memory_space<hbm>> -> memref<79x128xi32, #tpu.memory_space<hbm>>
      %dma_wait3A_30 = arith.constant 0 : i32
      %dma_wait3A_31 = arith.constant 0 : i32
      %dma_wait3A_32 = tpu.memref_slice %arg3[%add3A, %dma_wait3A_30, %dma_wait3A_31] : memref<32x79x128xi32, #tpu.memory_space<hbm>> -> memref<1x79x128xi32, #tpu.memory_space<hbm>>
      %dma_wait3A_33 = tpu.memref_squeeze %dma_wait3A_32 : memref<1x79x128xi32, #tpu.memory_space<hbm>> -> memref<79x128xi32, #tpu.memory_space<hbm>>
      tpu.wait_dma2 semaphore(%run_scoped3A : memref<!tpu.dma_semaphore, #tpu.memory_space<semaphore_mem>>) src(%dma_wait3A_33 : memref<79x128xi32, #tpu.memory_space<hbm>>) dst(%arg7 : memref<79x128xi32, #tpu.memory_space<vmem>>)
      tpu.yield
    }) : () -> ()
    %scan3A_8 = arith.constant 0 : i32
    %scan3A_9 = arith.constant 0 : i32
    %scan3A_10 = arith.constant 79 : i32
    %scan3A_11 = arith.addi %scan3A_9, %scan3A_10 : i32
    %scan3A_12 = arith.constant 1 : i32
    scf.for %scan3A_20 = %scan3A_9 to %scan3A_11 step %scan3A_12  : i32 {
      "tpu.region"() ({
        %run_scoped3A = tpu.sem_alloc : memref<!tpu.dma_semaphore, #tpu.memory_space<semaphore_mem>>
        %dma_start3A = arith.constant 0 : i32
        %dma_start3A_21 = tpu.memref_slice %arg8[%scan3A_20, %dma_start3A] : memref<79x128xf32, #tpu.memory_space<vmem>> -> memref<1x128xf32, #tpu.memory_space<vmem>>
        %dma_start3A_22 = tpu.memref_squeeze %dma_start3A_21 : memref<1x128xf32, #tpu.memory_space<vmem>> -> memref<128xf32, #tpu.memory_space<vmem>>
        %dma_start3A_23 = arith.constant 0 : i32
        %dma_start3A_24 = tpu.memref_slice %arg7[%scan3A_20, %dma_start3A_23] : memref<79x128xi32, #tpu.memory_space<vmem>> -> memref<1x128xi32, #tpu.memory_space<vmem>>
        %dma_start3A_25 = tpu.memref_squeeze %dma_start3A_24 : memref<1x128xi32, #tpu.memory_space<vmem>> -> memref<128xi32, #tpu.memory_space<vmem>>
        %dma_start3A_26 = arith.constant 0 : i32
        %dma_start3A_27 = tpu.memref_slice %arg10[%dma_start3A_26] : memref<10240xf32, #tpu.memory_space<vmem_shared>> -> memref<10240xf32, #tpu.memory_space<vmem_shared>>
        tpu.enqueue_indirect_dma source(%dma_start3A_22 : memref<128xf32, #tpu.memory_space<vmem>>) target(%dma_start3A_27 : memref<10240xf32, #tpu.memory_space<vmem_shared>>) offsets(%dma_start3A_25 : memref<128xi32, #tpu.memory_space<vmem>>) semaphore(%run_scoped3A : memref<!tpu.dma_semaphore, #tpu.memory_space<semaphore_mem>>) {add = true}
        %dma_wait3A = arith.constant 0 : i32
        %dma_wait3A_28 = tpu.memref_slice %arg8[%scan3A_20, %dma_wait3A] : memref<79x128xf32, #tpu.memory_space<vmem>> -> memref<1x128xf32, #tpu.memory_space<vmem>>
        %dma_wait3A_29 = tpu.memref_squeeze %dma_wait3A_28 : memref<1x128xf32, #tpu.memory_space<vmem>> -> memref<128xf32, #tpu.memory_space<vmem>>
        %dma_wait3A_30 = arith.constant 0 : i32
        %dma_wait3A_31 = tpu.memref_slice %arg7[%scan3A_20, %dma_wait3A_30] : memref<79x128xi32, #tpu.memory_space<vmem>> -> memref<1x128xi32, #tpu.memory_space<vmem>>
        %dma_wait3A_32 = tpu.memref_squeeze %dma_wait3A_31 : memref<1x128xi32, #tpu.memory_space<vmem>> -> memref<128xi32, #tpu.memory_space<vmem>>
        %dma_wait3A_33 = arith.constant 0 : i32
        %dma_wait3A_34 = tpu.memref_slice %arg10[%dma_wait3A_33] : memref<10240xf32, #tpu.memory_space<vmem_shared>> -> memref<10240xf32, #tpu.memory_space<vmem_shared>>
        tpu.wait_indirect_dma semaphore(%run_scoped3A : memref<!tpu.dma_semaphore, #tpu.memory_space<semaphore_mem>>) src(%dma_wait3A_29 : memref<128xf32, #tpu.memory_space<vmem>>) dst(%dma_wait3A_34 : memref<10240xf32, #tpu.memory_space<vmem_shared>>)
        tpu.yield
      }) : () -> ()
    }
    %scan3A_13 = arith.constant 79 : i32
    %barrier3A_14 = arith.constant 0 : index
    tpu.barrier barrier_id(%barrier3A_14)
    %eq3A_15 = arith.constant 0 : i32
    %eq3A_16 = arith.cmpi eq, %arg1, %eq3A_15 : i32
    %convert_element_type3A_17 = arith.extui %eq3A_16 : i1 to i32
    %cond3A_18 = arith.constant 0 : i32
    %cond3A_19 = arith.cmpi ne, %convert_element_type3A_17, %cond3A_18 : i32
    scf.if %cond3A_19 {
      %mul3A_20 = arith.constant 2 : i32
      %mul3A_21 = arith.muli %arg0, %mul3A_20 : i32
      "tpu.region"() ({
        %run_scoped3A = tpu.sem_alloc : memref<!tpu.dma_semaphore, #tpu.memory_space<semaphore_mem>>
        %dma_start3A = arith.constant 0 : i32
        %dma_start3A_26 = tpu.memref_slice %arg6[%mul3A_21, %dma_start3A] : memref<4x10240xf32, #tpu.memory_space<hbm>> -> memref<1x10240xf32, #tpu.memory_space<hbm>>
        %dma_start3A_27 = tpu.memref_squeeze %dma_start3A_26 : memref<1x10240xf32, #tpu.memory_space<hbm>> -> memref<10240xf32, #tpu.memory_space<hbm>>
        tpu.enqueue_dma source(%arg9 : memref<10240xf32, #tpu.memory_space<vmem_shared>>) target(%dma_start3A_27 : memref<10240xf32, #tpu.memory_space<hbm>>) target_semaphore(%run_scoped3A : memref<!tpu.dma_semaphore, #tpu.memory_space<semaphore_mem>>)
        %dma_wait3A = arith.constant 0 : i32
        %dma_wait3A_28 = tpu.memref_slice %arg6[%mul3A_21, %dma_wait3A] : memref<4x10240xf32, #tpu.memory_space<hbm>> -> memref<1x10240xf32, #tpu.memory_space<hbm>>
        %dma_wait3A_29 = tpu.memref_squeeze %dma_wait3A_28 : memref<1x10240xf32, #tpu.memory_space<hbm>> -> memref<10240xf32, #tpu.memory_space<hbm>>
        tpu.wait_dma2 semaphore(%run_scoped3A : memref<!tpu.dma_semaphore, #tpu.memory_space<semaphore_mem>>) src(%arg9 : memref<10240xf32, #tpu.memory_space<vmem_shared>>) dst(%dma_wait3A_29 : memref<10240xf32, #tpu.memory_space<hbm>>)
        tpu.yield
      }) : () -> ()
      %mul3A_22 = arith.constant 2 : i32
      %mul3A_23 = arith.muli %arg0, %mul3A_22 : i32
      %add3A_24 = arith.constant 1 : i32
      %add3A_25 = arith.addi %mul3A_23, %add3A_24 : i32
      "tpu.region"() ({
        %run_scoped3A = tpu.sem_alloc : memref<!tpu.dma_semaphore, #tpu.memory_space<semaphore_mem>>
        %dma_start3A = arith.constant 0 : i32
        %dma_start3A_26 = tpu.memref_slice %arg6[%add3A_25, %dma_start3A] : memref<4x10240xf32, #tpu.memory_space<hbm>> -> memref<1x10240xf32, #tpu.memory_space<hbm>>
        %dma_start3A_27 = tpu.memref_squeeze %dma_start3A_26 : memref<1x10240xf32, #tpu.memory_space<hbm>> -> memref<10240xf32, #tpu.memory_space<hbm>>
        tpu.enqueue_dma source(%arg10 : memref<10240xf32, #tpu.memory_space<vmem_shared>>) target(%dma_start3A_27 : memref<10240xf32, #tpu.memory_space<hbm>>) target_semaphore(%run_scoped3A : memref<!tpu.dma_semaphore, #tpu.memory_space<semaphore_mem>>)
        %dma_wait3A = arith.constant 0 : i32
        %dma_wait3A_28 = tpu.memref_slice %arg6[%add3A_25, %dma_wait3A] : memref<4x10240xf32, #tpu.memory_space<hbm>> -> memref<1x10240xf32, #tpu.memory_space<hbm>>
        %dma_wait3A_29 = tpu.memref_squeeze %dma_wait3A_28 : memref<1x10240xf32, #tpu.memory_space<hbm>> -> memref<10240xf32, #tpu.memory_space<hbm>>
        tpu.wait_dma2 semaphore(%run_scoped3A : memref<!tpu.dma_semaphore, #tpu.memory_space<semaphore_mem>>) src(%arg10 : memref<10240xf32, #tpu.memory_space<vmem_shared>>) dst(%dma_wait3A_29 : memref<10240xf32, #tpu.memory_space<hbm>>)
        tpu.yield
      }) : () -> ()
    } else {
    }
    return
  }
}

#map = affine_map<(d0, d1) -> (0, 0, 0)>
#map1 = affine_map<(d0, d1) -> (0)>
#map2 = affine_map<(d0, d1) -> (0, 0)>
module attributes {stable_mosaic.version = 14 : i64} {
  func.func @_edge_body(%arg0: i32, %arg1: i32, %arg2: memref<32x79x128xi32, #tpu.memory_space<hbm>>, %arg3: memref<32x79x128xi32, #tpu.memory_space<hbm>>, %arg4: memref<32x79x128xi32, #tpu.memory_space<hbm>>, %arg5: memref<32x79x128xi32, #tpu.memory_space<hbm>>, %arg6: memref<10240xf32, #tpu.memory_space<hbm>>, %arg7: memref<10240xf32, #tpu.memory_space<hbm>>, %arg8: memref<10240xf32, #tpu.memory_space<hbm>>, %arg9: memref<10240xf32, #tpu.memory_space<hbm>>, %arg10: memref<10240xf32, #tpu.memory_space<hbm>>, %arg11: memref<8x10240xf32, #tpu.memory_space<hbm>>, %arg12: memref<79x128xi32, #tpu.memory_space<vmem>>, %arg13: memref<79x128xi32, #tpu.memory_space<vmem>>, %arg14: memref<79x128xf32, #tpu.memory_space<vmem>>, %arg15: memref<10240xf32, #tpu.memory_space<vmem_shared>>, %arg16: memref<10240xf32, #tpu.memory_space<vmem_shared>>, %arg17: memref<10240xf32, #tpu.memory_space<vmem_shared>>, %arg18: memref<10240xf32, #tpu.memory_space<vmem_shared>>, %arg19: memref<10240xf32, #tpu.memory_space<vmem_shared>>, %arg20: memref<10240xf32, #tpu.memory_space<vmem_shared>>, %arg21: memref<10240xf32, #tpu.memory_space<vmem_shared>>, %arg22: memref<10240xf32, #tpu.memory_space<vmem_shared>>) attributes {dimension_semantics = [#tpu.dimension_semantics<core_parallel>, #tpu.dimension_semantics<subcore_parallel>], iteration_bounds = array<i64: 2, 16>, scalar_prefetch = 0 : i64, scratch_operands = 11 : i64, tpu.core_type = #tpu.core_type<sc_vector_subcore>, window_params = [{transform_indices = #map}, {transform_indices = #map}, {transform_indices = #map}, {transform_indices = #map}, {transform_indices = #map1}, {transform_indices = #map1}, {transform_indices = #map1}, {transform_indices = #map1}, {transform_indices = #map1}, {transform_indices = #map2}]} {
    %mul3A = arith.constant 16 : i32
    %mul3A_0 = arith.muli %arg0, %mul3A : i32
    %add3A = arith.addi %mul3A_0, %arg1 : i32
    %eq3A = arith.constant 0 : i32
    %eq3A_1 = arith.cmpi eq, %arg1, %eq3A : i32
    %convert_element_type3A = arith.extui %eq3A_1 : i1 to i32
    %cond3A = arith.constant 0 : i32
    %cond3A_2 = arith.cmpi ne, %convert_element_type3A, %cond3A : i32
    scf.if %cond3A_2 {
      "tpu.region"() ({
        %run_scoped3A = tpu.sem_alloc : memref<!tpu.dma_semaphore, #tpu.memory_space<semaphore_mem>>
        tpu.enqueue_dma source(%arg10 : memref<10240xf32, #tpu.memory_space<hbm>>) target(%arg19 : memref<10240xf32, #tpu.memory_space<vmem_shared>>) target_semaphore(%run_scoped3A : memref<!tpu.dma_semaphore, #tpu.memory_space<semaphore_mem>>)
        tpu.wait_dma2 semaphore(%run_scoped3A : memref<!tpu.dma_semaphore, #tpu.memory_space<semaphore_mem>>) src(%arg10 : memref<10240xf32, #tpu.memory_space<hbm>>) dst(%arg19 : memref<10240xf32, #tpu.memory_space<vmem_shared>>)
        tpu.yield
      }) : () -> ()
      "tpu.region"() ({
        %run_scoped3A = tpu.sem_alloc : memref<!tpu.dma_semaphore, #tpu.memory_space<semaphore_mem>>
        tpu.enqueue_dma source(%arg10 : memref<10240xf32, #tpu.memory_space<hbm>>) target(%arg20 : memref<10240xf32, #tpu.memory_space<vmem_shared>>) target_semaphore(%run_scoped3A : memref<!tpu.dma_semaphore, #tpu.memory_space<semaphore_mem>>)
        tpu.wait_dma2 semaphore(%run_scoped3A : memref<!tpu.dma_semaphore, #tpu.memory_space<semaphore_mem>>) src(%arg10 : memref<10240xf32, #tpu.memory_space<hbm>>) dst(%arg20 : memref<10240xf32, #tpu.memory_space<vmem_shared>>)
        tpu.yield
      }) : () -> ()
      "tpu.region"() ({
        %run_scoped3A = tpu.sem_alloc : memref<!tpu.dma_semaphore, #tpu.memory_space<semaphore_mem>>
        tpu.enqueue_dma source(%arg10 : memref<10240xf32, #tpu.memory_space<hbm>>) target(%arg21 : memref<10240xf32, #tpu.memory_space<vmem_shared>>) target_semaphore(%run_scoped3A : memref<!tpu.dma_semaphore, #tpu.memory_space<semaphore_mem>>)
        tpu.wait_dma2 semaphore(%run_scoped3A : memref<!tpu.dma_semaphore, #tpu.memory_space<semaphore_mem>>) src(%arg10 : memref<10240xf32, #tpu.memory_space<hbm>>) dst(%arg21 : memref<10240xf32, #tpu.memory_space<vmem_shared>>)
        tpu.yield
      }) : () -> ()
      "tpu.region"() ({
        %run_scoped3A = tpu.sem_alloc : memref<!tpu.dma_semaphore, #tpu.memory_space<semaphore_mem>>
        tpu.enqueue_dma source(%arg10 : memref<10240xf32, #tpu.memory_space<hbm>>) target(%arg22 : memref<10240xf32, #tpu.memory_space<vmem_shared>>) target_semaphore(%run_scoped3A : memref<!tpu.dma_semaphore, #tpu.memory_space<semaphore_mem>>)
        tpu.wait_dma2 semaphore(%run_scoped3A : memref<!tpu.dma_semaphore, #tpu.memory_space<semaphore_mem>>) src(%arg10 : memref<10240xf32, #tpu.memory_space<hbm>>) dst(%arg22 : memref<10240xf32, #tpu.memory_space<vmem_shared>>)
        tpu.yield
      }) : () -> ()
      "tpu.region"() ({
        %run_scoped3A = tpu.sem_alloc : memref<!tpu.dma_semaphore, #tpu.memory_space<semaphore_mem>>
        tpu.enqueue_dma source(%arg6 : memref<10240xf32, #tpu.memory_space<hbm>>) target(%arg15 : memref<10240xf32, #tpu.memory_space<vmem_shared>>) target_semaphore(%run_scoped3A : memref<!tpu.dma_semaphore, #tpu.memory_space<semaphore_mem>>)
        tpu.wait_dma2 semaphore(%run_scoped3A : memref<!tpu.dma_semaphore, #tpu.memory_space<semaphore_mem>>) src(%arg6 : memref<10240xf32, #tpu.memory_space<hbm>>) dst(%arg15 : memref<10240xf32, #tpu.memory_space<vmem_shared>>)
        tpu.yield
      }) : () -> ()
      "tpu.region"() ({
        %run_scoped3A = tpu.sem_alloc : memref<!tpu.dma_semaphore, #tpu.memory_space<semaphore_mem>>
        tpu.enqueue_dma source(%arg7 : memref<10240xf32, #tpu.memory_space<hbm>>) target(%arg16 : memref<10240xf32, #tpu.memory_space<vmem_shared>>) target_semaphore(%run_scoped3A : memref<!tpu.dma_semaphore, #tpu.memory_space<semaphore_mem>>)
        tpu.wait_dma2 semaphore(%run_scoped3A : memref<!tpu.dma_semaphore, #tpu.memory_space<semaphore_mem>>) src(%arg7 : memref<10240xf32, #tpu.memory_space<hbm>>) dst(%arg16 : memref<10240xf32, #tpu.memory_space<vmem_shared>>)
        tpu.yield
      }) : () -> ()
      "tpu.region"() ({
        %run_scoped3A = tpu.sem_alloc : memref<!tpu.dma_semaphore, #tpu.memory_space<semaphore_mem>>
        tpu.enqueue_dma source(%arg8 : memref<10240xf32, #tpu.memory_space<hbm>>) target(%arg17 : memref<10240xf32, #tpu.memory_space<vmem_shared>>) target_semaphore(%run_scoped3A : memref<!tpu.dma_semaphore, #tpu.memory_space<semaphore_mem>>)
        tpu.wait_dma2 semaphore(%run_scoped3A : memref<!tpu.dma_semaphore, #tpu.memory_space<semaphore_mem>>) src(%arg8 : memref<10240xf32, #tpu.memory_space<hbm>>) dst(%arg17 : memref<10240xf32, #tpu.memory_space<vmem_shared>>)
        tpu.yield
      }) : () -> ()
      "tpu.region"() ({
        %run_scoped3A = tpu.sem_alloc : memref<!tpu.dma_semaphore, #tpu.memory_space<semaphore_mem>>
        tpu.enqueue_dma source(%arg9 : memref<10240xf32, #tpu.memory_space<hbm>>) target(%arg18 : memref<10240xf32, #tpu.memory_space<vmem_shared>>) target_semaphore(%run_scoped3A : memref<!tpu.dma_semaphore, #tpu.memory_space<semaphore_mem>>)
        tpu.wait_dma2 semaphore(%run_scoped3A : memref<!tpu.dma_semaphore, #tpu.memory_space<semaphore_mem>>) src(%arg9 : memref<10240xf32, #tpu.memory_space<hbm>>) dst(%arg18 : memref<10240xf32, #tpu.memory_space<vmem_shared>>)
        tpu.yield
      }) : () -> ()
    } else {
    }
    %barrier3A = arith.constant 0 : index
    tpu.barrier barrier_id(%barrier3A)
    "tpu.region"() ({
      %run_scoped3A = tpu.sem_alloc : memref<!tpu.dma_semaphore, #tpu.memory_space<semaphore_mem>>
      %dma_start3A = arith.constant 0 : i32
      %dma_start3A_20 = arith.constant 0 : i32
      %dma_start3A_21 = tpu.memref_slice %arg2[%add3A, %dma_start3A, %dma_start3A_20] : memref<32x79x128xi32, #tpu.memory_space<hbm>> -> memref<1x79x128xi32, #tpu.memory_space<hbm>>
      %dma_start3A_22 = tpu.memref_squeeze %dma_start3A_21 : memref<1x79x128xi32, #tpu.memory_space<hbm>> -> memref<79x128xi32, #tpu.memory_space<hbm>>
      %dma_start3A_23 = arith.constant 0 : i32
      %dma_start3A_24 = arith.constant 0 : i32
      %dma_start3A_25 = tpu.memref_slice %arg2[%add3A, %dma_start3A_23, %dma_start3A_24] : memref<32x79x128xi32, #tpu.memory_space<hbm>> -> memref<1x79x128xi32, #tpu.memory_space<hbm>>
      %dma_start3A_26 = tpu.memref_squeeze %dma_start3A_25 : memref<1x79x128xi32, #tpu.memory_space<hbm>> -> memref<79x128xi32, #tpu.memory_space<hbm>>
      tpu.enqueue_dma source(%dma_start3A_26 : memref<79x128xi32, #tpu.memory_space<hbm>>) target(%arg12 : memref<79x128xi32, #tpu.memory_space<vmem>>) target_semaphore(%run_scoped3A : memref<!tpu.dma_semaphore, #tpu.memory_space<semaphore_mem>>)
      %dma_wait3A = arith.constant 0 : i32
      %dma_wait3A_27 = arith.constant 0 : i32
      %dma_wait3A_28 = tpu.memref_slice %arg2[%add3A, %dma_wait3A, %dma_wait3A_27] : memref<32x79x128xi32, #tpu.memory_space<hbm>> -> memref<1x79x128xi32, #tpu.memory_space<hbm>>
      %dma_wait3A_29 = tpu.memref_squeeze %dma_wait3A_28 : memref<1x79x128xi32, #tpu.memory_space<hbm>> -> memref<79x128xi32, #tpu.memory_space<hbm>>
      %dma_wait3A_30 = arith.constant 0 : i32
      %dma_wait3A_31 = arith.constant 0 : i32
      %dma_wait3A_32 = tpu.memref_slice %arg2[%add3A, %dma_wait3A_30, %dma_wait3A_31] : memref<32x79x128xi32, #tpu.memory_space<hbm>> -> memref<1x79x128xi32, #tpu.memory_space<hbm>>
      %dma_wait3A_33 = tpu.memref_squeeze %dma_wait3A_32 : memref<1x79x128xi32, #tpu.memory_space<hbm>> -> memref<79x128xi32, #tpu.memory_space<hbm>>
      tpu.wait_dma2 semaphore(%run_scoped3A : memref<!tpu.dma_semaphore, #tpu.memory_space<semaphore_mem>>) src(%dma_wait3A_33 : memref<79x128xi32, #tpu.memory_space<hbm>>) dst(%arg12 : memref<79x128xi32, #tpu.memory_space<vmem>>)
      tpu.yield
    }) : () -> ()
    "tpu.region"() ({
      %run_scoped3A = tpu.sem_alloc : memref<!tpu.dma_semaphore, #tpu.memory_space<semaphore_mem>>
      %dma_start3A = arith.constant 0 : i32
      %dma_start3A_20 = arith.constant 0 : i32
      %dma_start3A_21 = tpu.memref_slice %arg3[%add3A, %dma_start3A, %dma_start3A_20] : memref<32x79x128xi32, #tpu.memory_space<hbm>> -> memref<1x79x128xi32, #tpu.memory_space<hbm>>
      %dma_start3A_22 = tpu.memref_squeeze %dma_start3A_21 : memref<1x79x128xi32, #tpu.memory_space<hbm>> -> memref<79x128xi32, #tpu.memory_space<hbm>>
      %dma_start3A_23 = arith.constant 0 : i32
      %dma_start3A_24 = arith.constant 0 : i32
      %dma_start3A_25 = tpu.memref_slice %arg3[%add3A, %dma_start3A_23, %dma_start3A_24] : memref<32x79x128xi32, #tpu.memory_space<hbm>> -> memref<1x79x128xi32, #tpu.memory_space<hbm>>
      %dma_start3A_26 = tpu.memref_squeeze %dma_start3A_25 : memref<1x79x128xi32, #tpu.memory_space<hbm>> -> memref<79x128xi32, #tpu.memory_space<hbm>>
      tpu.enqueue_dma source(%dma_start3A_26 : memref<79x128xi32, #tpu.memory_space<hbm>>) target(%arg13 : memref<79x128xi32, #tpu.memory_space<vmem>>) target_semaphore(%run_scoped3A : memref<!tpu.dma_semaphore, #tpu.memory_space<semaphore_mem>>)
      %dma_wait3A = arith.constant 0 : i32
      %dma_wait3A_27 = arith.constant 0 : i32
      %dma_wait3A_28 = tpu.memref_slice %arg3[%add3A, %dma_wait3A, %dma_wait3A_27] : memref<32x79x128xi32, #tpu.memory_space<hbm>> -> memref<1x79x128xi32, #tpu.memory_space<hbm>>
      %dma_wait3A_29 = tpu.memref_squeeze %dma_wait3A_28 : memref<1x79x128xi32, #tpu.memory_space<hbm>> -> memref<79x128xi32, #tpu.memory_space<hbm>>
      %dma_wait3A_30 = arith.constant 0 : i32
      %dma_wait3A_31 = arith.constant 0 : i32
      %dma_wait3A_32 = tpu.memref_slice %arg3[%add3A, %dma_wait3A_30, %dma_wait3A_31] : memref<32x79x128xi32, #tpu.memory_space<hbm>> -> memref<1x79x128xi32, #tpu.memory_space<hbm>>
      %dma_wait3A_33 = tpu.memref_squeeze %dma_wait3A_32 : memref<1x79x128xi32, #tpu.memory_space<hbm>> -> memref<79x128xi32, #tpu.memory_space<hbm>>
      tpu.wait_dma2 semaphore(%run_scoped3A : memref<!tpu.dma_semaphore, #tpu.memory_space<semaphore_mem>>) src(%dma_wait3A_33 : memref<79x128xi32, #tpu.memory_space<hbm>>) dst(%arg13 : memref<79x128xi32, #tpu.memory_space<vmem>>)
      tpu.yield
    }) : () -> ()
    %scan3A = arith.constant 0 : i32
    %scan3A_3 = arith.constant 0 : i32
    %scan3A_4 = arith.constant 79 : i32
    %scan3A_5 = arith.addi %scan3A_3, %scan3A_4 : i32
    %scan3A_6 = arith.constant 1 : i32
    scf.for %scan3A_20 = %scan3A_3 to %scan3A_5 step %scan3A_6  : i32 {
      "tpu.region"() ({
        %run_scoped3A = tpu.sem_alloc : memref<!tpu.dma_semaphore, #tpu.memory_space<semaphore_mem>>
        %dma_start3A = arith.constant 0 : i32
        %dma_start3A_21 = tpu.memref_slice %arg14[%scan3A_20, %dma_start3A] : memref<79x128xf32, #tpu.memory_space<vmem>> -> memref<1x128xf32, #tpu.memory_space<vmem>>
        %dma_start3A_22 = tpu.memref_squeeze %dma_start3A_21 : memref<1x128xf32, #tpu.memory_space<vmem>> -> memref<128xf32, #tpu.memory_space<vmem>>
        %dma_start3A_23 = arith.constant 0 : i32
        %dma_start3A_24 = tpu.memref_slice %arg12[%scan3A_20, %dma_start3A_23] : memref<79x128xi32, #tpu.memory_space<vmem>> -> memref<1x128xi32, #tpu.memory_space<vmem>>
        %dma_start3A_25 = tpu.memref_squeeze %dma_start3A_24 : memref<1x128xi32, #tpu.memory_space<vmem>> -> memref<128xi32, #tpu.memory_space<vmem>>
        %dma_start3A_26 = arith.constant 0 : i32
        %dma_start3A_27 = tpu.memref_slice %arg16[%dma_start3A_26] : memref<10240xf32, #tpu.memory_space<vmem_shared>> -> memref<10240xf32, #tpu.memory_space<vmem_shared>>
        tpu.enqueue_indirect_dma source(%dma_start3A_27 : memref<10240xf32, #tpu.memory_space<vmem_shared>>) target(%dma_start3A_22 : memref<128xf32, #tpu.memory_space<vmem>>) offsets(%dma_start3A_25 : memref<128xi32, #tpu.memory_space<vmem>>) semaphore(%run_scoped3A : memref<!tpu.dma_semaphore, #tpu.memory_space<semaphore_mem>>)
        %dma_wait3A = arith.constant 0 : i32
        %dma_wait3A_28 = tpu.memref_slice %arg14[%scan3A_20, %dma_wait3A] : memref<79x128xf32, #tpu.memory_space<vmem>> -> memref<1x128xf32, #tpu.memory_space<vmem>>
        %dma_wait3A_29 = tpu.memref_squeeze %dma_wait3A_28 : memref<1x128xf32, #tpu.memory_space<vmem>> -> memref<128xf32, #tpu.memory_space<vmem>>
        %dma_wait3A_30 = arith.constant 0 : i32
        %dma_wait3A_31 = tpu.memref_slice %arg12[%scan3A_20, %dma_wait3A_30] : memref<79x128xi32, #tpu.memory_space<vmem>> -> memref<1x128xi32, #tpu.memory_space<vmem>>
        %dma_wait3A_32 = tpu.memref_squeeze %dma_wait3A_31 : memref<1x128xi32, #tpu.memory_space<vmem>> -> memref<128xi32, #tpu.memory_space<vmem>>
        %dma_wait3A_33 = arith.constant 0 : i32
        %dma_wait3A_34 = tpu.memref_slice %arg16[%dma_wait3A_33] : memref<10240xf32, #tpu.memory_space<vmem_shared>> -> memref<10240xf32, #tpu.memory_space<vmem_shared>>
        tpu.wait_indirect_dma semaphore(%run_scoped3A : memref<!tpu.dma_semaphore, #tpu.memory_space<semaphore_mem>>) src(%dma_wait3A_34 : memref<10240xf32, #tpu.memory_space<vmem_shared>>) dst(%dma_wait3A_29 : memref<128xf32, #tpu.memory_space<vmem>>)
        tpu.yield
      }) : () -> ()
      "tpu.region"() ({
        %run_scoped3A = tpu.sem_alloc : memref<!tpu.dma_semaphore, #tpu.memory_space<semaphore_mem>>
        %dma_start3A = arith.constant 0 : i32
        %dma_start3A_21 = tpu.memref_slice %arg14[%scan3A_20, %dma_start3A] : memref<79x128xf32, #tpu.memory_space<vmem>> -> memref<1x128xf32, #tpu.memory_space<vmem>>
        %dma_start3A_22 = tpu.memref_squeeze %dma_start3A_21 : memref<1x128xf32, #tpu.memory_space<vmem>> -> memref<128xf32, #tpu.memory_space<vmem>>
        %dma_start3A_23 = arith.constant 0 : i32
        %dma_start3A_24 = tpu.memref_slice %arg13[%scan3A_20, %dma_start3A_23] : memref<79x128xi32, #tpu.memory_space<vmem>> -> memref<1x128xi32, #tpu.memory_space<vmem>>
        %dma_start3A_25 = tpu.memref_squeeze %dma_start3A_24 : memref<1x128xi32, #tpu.memory_space<vmem>> -> memref<128xi32, #tpu.memory_space<vmem>>
        %dma_start3A_26 = arith.constant 0 : i32
        %dma_start3A_27 = tpu.memref_slice %arg20[%dma_start3A_26] : memref<10240xf32, #tpu.memory_space<vmem_shared>> -> memref<10240xf32, #tpu.memory_space<vmem_shared>>
        tpu.enqueue_indirect_dma source(%dma_start3A_22 : memref<128xf32, #tpu.memory_space<vmem>>) target(%dma_start3A_27 : memref<10240xf32, #tpu.memory_space<vmem_shared>>) offsets(%dma_start3A_25 : memref<128xi32, #tpu.memory_space<vmem>>) semaphore(%run_scoped3A : memref<!tpu.dma_semaphore, #tpu.memory_space<semaphore_mem>>) {add = true}
        %dma_wait3A = arith.constant 0 : i32
        %dma_wait3A_28 = tpu.memref_slice %arg14[%scan3A_20, %dma_wait3A] : memref<79x128xf32, #tpu.memory_space<vmem>> -> memref<1x128xf32, #tpu.memory_space<vmem>>
        %dma_wait3A_29 = tpu.memref_squeeze %dma_wait3A_28 : memref<1x128xf32, #tpu.memory_space<vmem>> -> memref<128xf32, #tpu.memory_space<vmem>>
        %dma_wait3A_30 = arith.constant 0 : i32
        %dma_wait3A_31 = tpu.memref_slice %arg13[%scan3A_20, %dma_wait3A_30] : memref<79x128xi32, #tpu.memory_space<vmem>> -> memref<1x128xi32, #tpu.memory_space<vmem>>
        %dma_wait3A_32 = tpu.memref_squeeze %dma_wait3A_31 : memref<1x128xi32, #tpu.memory_space<vmem>> -> memref<128xi32, #tpu.memory_space<vmem>>
        %dma_wait3A_33 = arith.constant 0 : i32
        %dma_wait3A_34 = tpu.memref_slice %arg20[%dma_wait3A_33] : memref<10240xf32, #tpu.memory_space<vmem_shared>> -> memref<10240xf32, #tpu.memory_space<vmem_shared>>
        tpu.wait_indirect_dma semaphore(%run_scoped3A : memref<!tpu.dma_semaphore, #tpu.memory_space<semaphore_mem>>) src(%dma_wait3A_29 : memref<128xf32, #tpu.memory_space<vmem>>) dst(%dma_wait3A_34 : memref<10240xf32, #tpu.memory_space<vmem_shared>>)
        tpu.yield
      }) : () -> ()
      "tpu.region"() ({
        %run_scoped3A = tpu.sem_alloc : memref<!tpu.dma_semaphore, #tpu.memory_space<semaphore_mem>>
        %dma_start3A = arith.constant 0 : i32
        %dma_start3A_21 = tpu.memref_slice %arg14[%scan3A_20, %dma_start3A] : memref<79x128xf32, #tpu.memory_space<vmem>> -> memref<1x128xf32, #tpu.memory_space<vmem>>
        %dma_start3A_22 = tpu.memref_squeeze %dma_start3A_21 : memref<1x128xf32, #tpu.memory_space<vmem>> -> memref<128xf32, #tpu.memory_space<vmem>>
        %dma_start3A_23 = arith.constant 0 : i32
        %dma_start3A_24 = tpu.memref_slice %arg12[%scan3A_20, %dma_start3A_23] : memref<79x128xi32, #tpu.memory_space<vmem>> -> memref<1x128xi32, #tpu.memory_space<vmem>>
        %dma_start3A_25 = tpu.memref_squeeze %dma_start3A_24 : memref<1x128xi32, #tpu.memory_space<vmem>> -> memref<128xi32, #tpu.memory_space<vmem>>
        %dma_start3A_26 = arith.constant 0 : i32
        %dma_start3A_27 = tpu.memref_slice %arg18[%dma_start3A_26] : memref<10240xf32, #tpu.memory_space<vmem_shared>> -> memref<10240xf32, #tpu.memory_space<vmem_shared>>
        tpu.enqueue_indirect_dma source(%dma_start3A_27 : memref<10240xf32, #tpu.memory_space<vmem_shared>>) target(%dma_start3A_22 : memref<128xf32, #tpu.memory_space<vmem>>) offsets(%dma_start3A_25 : memref<128xi32, #tpu.memory_space<vmem>>) semaphore(%run_scoped3A : memref<!tpu.dma_semaphore, #tpu.memory_space<semaphore_mem>>)
        %dma_wait3A = arith.constant 0 : i32
        %dma_wait3A_28 = tpu.memref_slice %arg14[%scan3A_20, %dma_wait3A] : memref<79x128xf32, #tpu.memory_space<vmem>> -> memref<1x128xf32, #tpu.memory_space<vmem>>
        %dma_wait3A_29 = tpu.memref_squeeze %dma_wait3A_28 : memref<1x128xf32, #tpu.memory_space<vmem>> -> memref<128xf32, #tpu.memory_space<vmem>>
        %dma_wait3A_30 = arith.constant 0 : i32
        %dma_wait3A_31 = tpu.memref_slice %arg12[%scan3A_20, %dma_wait3A_30] : memref<79x128xi32, #tpu.memory_space<vmem>> -> memref<1x128xi32, #tpu.memory_space<vmem>>
        %dma_wait3A_32 = tpu.memref_squeeze %dma_wait3A_31 : memref<1x128xi32, #tpu.memory_space<vmem>> -> memref<128xi32, #tpu.memory_space<vmem>>
        %dma_wait3A_33 = arith.constant 0 : i32
        %dma_wait3A_34 = tpu.memref_slice %arg18[%dma_wait3A_33] : memref<10240xf32, #tpu.memory_space<vmem_shared>> -> memref<10240xf32, #tpu.memory_space<vmem_shared>>
        tpu.wait_indirect_dma semaphore(%run_scoped3A : memref<!tpu.dma_semaphore, #tpu.memory_space<semaphore_mem>>) src(%dma_wait3A_34 : memref<10240xf32, #tpu.memory_space<vmem_shared>>) dst(%dma_wait3A_29 : memref<128xf32, #tpu.memory_space<vmem>>)
        tpu.yield
      }) : () -> ()
      "tpu.region"() ({
        %run_scoped3A = tpu.sem_alloc : memref<!tpu.dma_semaphore, #tpu.memory_space<semaphore_mem>>
        %dma_start3A = arith.constant 0 : i32
        %dma_start3A_21 = tpu.memref_slice %arg14[%scan3A_20, %dma_start3A] : memref<79x128xf32, #tpu.memory_space<vmem>> -> memref<1x128xf32, #tpu.memory_space<vmem>>
        %dma_start3A_22 = tpu.memref_squeeze %dma_start3A_21 : memref<1x128xf32, #tpu.memory_space<vmem>> -> memref<128xf32, #tpu.memory_space<vmem>>
        %dma_start3A_23 = arith.constant 0 : i32
        %dma_start3A_24 = tpu.memref_slice %arg13[%scan3A_20, %dma_start3A_23] : memref<79x128xi32, #tpu.memory_space<vmem>> -> memref<1x128xi32, #tpu.memory_space<vmem>>
        %dma_start3A_25 = tpu.memref_squeeze %dma_start3A_24 : memref<1x128xi32, #tpu.memory_space<vmem>> -> memref<128xi32, #tpu.memory_space<vmem>>
        %dma_start3A_26 = arith.constant 0 : i32
        %dma_start3A_27 = tpu.memref_slice %arg22[%dma_start3A_26] : memref<10240xf32, #tpu.memory_space<vmem_shared>> -> memref<10240xf32, #tpu.memory_space<vmem_shared>>
        tpu.enqueue_indirect_dma source(%dma_start3A_22 : memref<128xf32, #tpu.memory_space<vmem>>) target(%dma_start3A_27 : memref<10240xf32, #tpu.memory_space<vmem_shared>>) offsets(%dma_start3A_25 : memref<128xi32, #tpu.memory_space<vmem>>) semaphore(%run_scoped3A : memref<!tpu.dma_semaphore, #tpu.memory_space<semaphore_mem>>) {add = true}
        %dma_wait3A = arith.constant 0 : i32
        %dma_wait3A_28 = tpu.memref_slice %arg14[%scan3A_20, %dma_wait3A] : memref<79x128xf32, #tpu.memory_space<vmem>> -> memref<1x128xf32, #tpu.memory_space<vmem>>
        %dma_wait3A_29 = tpu.memref_squeeze %dma_wait3A_28 : memref<1x128xf32, #tpu.memory_space<vmem>> -> memref<128xf32, #tpu.memory_space<vmem>>
        %dma_wait3A_30 = arith.constant 0 : i32
        %dma_wait3A_31 = tpu.memref_slice %arg13[%scan3A_20, %dma_wait3A_30] : memref<79x128xi32, #tpu.memory_space<vmem>> -> memref<1x128xi32, #tpu.memory_space<vmem>>
        %dma_wait3A_32 = tpu.memref_squeeze %dma_wait3A_31 : memref<1x128xi32, #tpu.memory_space<vmem>> -> memref<128xi32, #tpu.memory_space<vmem>>
        %dma_wait3A_33 = arith.constant 0 : i32
        %dma_wait3A_34 = tpu.memref_slice %arg22[%dma_wait3A_33] : memref<10240xf32, #tpu.memory_space<vmem_shared>> -> memref<10240xf32, #tpu.memory_space<vmem_shared>>
        tpu.wait_indirect_dma semaphore(%run_scoped3A : memref<!tpu.dma_semaphore, #tpu.memory_space<semaphore_mem>>) src(%dma_wait3A_29 : memref<128xf32, #tpu.memory_space<vmem>>) dst(%dma_wait3A_34 : memref<10240xf32, #tpu.memory_space<vmem_shared>>)
        tpu.yield
      }) : () -> ()
    }
    %scan3A_7 = arith.constant 79 : i32
    "tpu.region"() ({
      %run_scoped3A = tpu.sem_alloc : memref<!tpu.dma_semaphore, #tpu.memory_space<semaphore_mem>>
      %dma_start3A = arith.constant 0 : i32
      %dma_start3A_20 = arith.constant 0 : i32
      %dma_start3A_21 = tpu.memref_slice %arg4[%add3A, %dma_start3A, %dma_start3A_20] : memref<32x79x128xi32, #tpu.memory_space<hbm>> -> memref<1x79x128xi32, #tpu.memory_space<hbm>>
      %dma_start3A_22 = tpu.memref_squeeze %dma_start3A_21 : memref<1x79x128xi32, #tpu.memory_space<hbm>> -> memref<79x128xi32, #tpu.memory_space<hbm>>
      %dma_start3A_23 = arith.constant 0 : i32
      %dma_start3A_24 = arith.constant 0 : i32
      %dma_start3A_25 = tpu.memref_slice %arg4[%add3A, %dma_start3A_23, %dma_start3A_24] : memref<32x79x128xi32, #tpu.memory_space<hbm>> -> memref<1x79x128xi32, #tpu.memory_space<hbm>>
      %dma_start3A_26 = tpu.memref_squeeze %dma_start3A_25 : memref<1x79x128xi32, #tpu.memory_space<hbm>> -> memref<79x128xi32, #tpu.memory_space<hbm>>
      tpu.enqueue_dma source(%dma_start3A_26 : memref<79x128xi32, #tpu.memory_space<hbm>>) target(%arg12 : memref<79x128xi32, #tpu.memory_space<vmem>>) target_semaphore(%run_scoped3A : memref<!tpu.dma_semaphore, #tpu.memory_space<semaphore_mem>>)
      %dma_wait3A = arith.constant 0 : i32
      %dma_wait3A_27 = arith.constant 0 : i32
      %dma_wait3A_28 = tpu.memref_slice %arg4[%add3A, %dma_wait3A, %dma_wait3A_27] : memref<32x79x128xi32, #tpu.memory_space<hbm>> -> memref<1x79x128xi32, #tpu.memory_space<hbm>>
      %dma_wait3A_29 = tpu.memref_squeeze %dma_wait3A_28 : memref<1x79x128xi32, #tpu.memory_space<hbm>> -> memref<79x128xi32, #tpu.memory_space<hbm>>
      %dma_wait3A_30 = arith.constant 0 : i32
      %dma_wait3A_31 = arith.constant 0 : i32
      %dma_wait3A_32 = tpu.memref_slice %arg4[%add3A, %dma_wait3A_30, %dma_wait3A_31] : memref<32x79x128xi32, #tpu.memory_space<hbm>> -> memref<1x79x128xi32, #tpu.memory_space<hbm>>
      %dma_wait3A_33 = tpu.memref_squeeze %dma_wait3A_32 : memref<1x79x128xi32, #tpu.memory_space<hbm>> -> memref<79x128xi32, #tpu.memory_space<hbm>>
      tpu.wait_dma2 semaphore(%run_scoped3A : memref<!tpu.dma_semaphore, #tpu.memory_space<semaphore_mem>>) src(%dma_wait3A_33 : memref<79x128xi32, #tpu.memory_space<hbm>>) dst(%arg12 : memref<79x128xi32, #tpu.memory_space<vmem>>)
      tpu.yield
    }) : () -> ()
    "tpu.region"() ({
      %run_scoped3A = tpu.sem_alloc : memref<!tpu.dma_semaphore, #tpu.memory_space<semaphore_mem>>
      %dma_start3A = arith.constant 0 : i32
      %dma_start3A_20 = arith.constant 0 : i32
      %dma_start3A_21 = tpu.memref_slice %arg5[%add3A, %dma_start3A, %dma_start3A_20] : memref<32x79x128xi32, #tpu.memory_space<hbm>> -> memref<1x79x128xi32, #tpu.memory_space<hbm>>
      %dma_start3A_22 = tpu.memref_squeeze %dma_start3A_21 : memref<1x79x128xi32, #tpu.memory_space<hbm>> -> memref<79x128xi32, #tpu.memory_space<hbm>>
      %dma_start3A_23 = arith.constant 0 : i32
      %dma_start3A_24 = arith.constant 0 : i32
      %dma_start3A_25 = tpu.memref_slice %arg5[%add3A, %dma_start3A_23, %dma_start3A_24] : memref<32x79x128xi32, #tpu.memory_space<hbm>> -> memref<1x79x128xi32, #tpu.memory_space<hbm>>
      %dma_start3A_26 = tpu.memref_squeeze %dma_start3A_25 : memref<1x79x128xi32, #tpu.memory_space<hbm>> -> memref<79x128xi32, #tpu.memory_space<hbm>>
      tpu.enqueue_dma source(%dma_start3A_26 : memref<79x128xi32, #tpu.memory_space<hbm>>) target(%arg13 : memref<79x128xi32, #tpu.memory_space<vmem>>) target_semaphore(%run_scoped3A : memref<!tpu.dma_semaphore, #tpu.memory_space<semaphore_mem>>)
      %dma_wait3A = arith.constant 0 : i32
      %dma_wait3A_27 = arith.constant 0 : i32
      %dma_wait3A_28 = tpu.memref_slice %arg5[%add3A, %dma_wait3A, %dma_wait3A_27] : memref<32x79x128xi32, #tpu.memory_space<hbm>> -> memref<1x79x128xi32, #tpu.memory_space<hbm>>
      %dma_wait3A_29 = tpu.memref_squeeze %dma_wait3A_28 : memref<1x79x128xi32, #tpu.memory_space<hbm>> -> memref<79x128xi32, #tpu.memory_space<hbm>>
      %dma_wait3A_30 = arith.constant 0 : i32
      %dma_wait3A_31 = arith.constant 0 : i32
      %dma_wait3A_32 = tpu.memref_slice %arg5[%add3A, %dma_wait3A_30, %dma_wait3A_31] : memref<32x79x128xi32, #tpu.memory_space<hbm>> -> memref<1x79x128xi32, #tpu.memory_space<hbm>>
      %dma_wait3A_33 = tpu.memref_squeeze %dma_wait3A_32 : memref<1x79x128xi32, #tpu.memory_space<hbm>> -> memref<79x128xi32, #tpu.memory_space<hbm>>
      tpu.wait_dma2 semaphore(%run_scoped3A : memref<!tpu.dma_semaphore, #tpu.memory_space<semaphore_mem>>) src(%dma_wait3A_33 : memref<79x128xi32, #tpu.memory_space<hbm>>) dst(%arg13 : memref<79x128xi32, #tpu.memory_space<vmem>>)
      tpu.yield
    }) : () -> ()
    %scan3A_8 = arith.constant 0 : i32
    %scan3A_9 = arith.constant 0 : i32
    %scan3A_10 = arith.constant 79 : i32
    %scan3A_11 = arith.addi %scan3A_9, %scan3A_10 : i32
    %scan3A_12 = arith.constant 1 : i32
    scf.for %scan3A_20 = %scan3A_9 to %scan3A_11 step %scan3A_12  : i32 {
      "tpu.region"() ({
        %run_scoped3A = tpu.sem_alloc : memref<!tpu.dma_semaphore, #tpu.memory_space<semaphore_mem>>
        %dma_start3A = arith.constant 0 : i32
        %dma_start3A_21 = tpu.memref_slice %arg14[%scan3A_20, %dma_start3A] : memref<79x128xf32, #tpu.memory_space<vmem>> -> memref<1x128xf32, #tpu.memory_space<vmem>>
        %dma_start3A_22 = tpu.memref_squeeze %dma_start3A_21 : memref<1x128xf32, #tpu.memory_space<vmem>> -> memref<128xf32, #tpu.memory_space<vmem>>
        %dma_start3A_23 = arith.constant 0 : i32
        %dma_start3A_24 = tpu.memref_slice %arg12[%scan3A_20, %dma_start3A_23] : memref<79x128xi32, #tpu.memory_space<vmem>> -> memref<1x128xi32, #tpu.memory_space<vmem>>
        %dma_start3A_25 = tpu.memref_squeeze %dma_start3A_24 : memref<1x128xi32, #tpu.memory_space<vmem>> -> memref<128xi32, #tpu.memory_space<vmem>>
        %dma_start3A_26 = arith.constant 0 : i32
        %dma_start3A_27 = tpu.memref_slice %arg15[%dma_start3A_26] : memref<10240xf32, #tpu.memory_space<vmem_shared>> -> memref<10240xf32, #tpu.memory_space<vmem_shared>>
        tpu.enqueue_indirect_dma source(%dma_start3A_27 : memref<10240xf32, #tpu.memory_space<vmem_shared>>) target(%dma_start3A_22 : memref<128xf32, #tpu.memory_space<vmem>>) offsets(%dma_start3A_25 : memref<128xi32, #tpu.memory_space<vmem>>) semaphore(%run_scoped3A : memref<!tpu.dma_semaphore, #tpu.memory_space<semaphore_mem>>)
        %dma_wait3A = arith.constant 0 : i32
        %dma_wait3A_28 = tpu.memref_slice %arg14[%scan3A_20, %dma_wait3A] : memref<79x128xf32, #tpu.memory_space<vmem>> -> memref<1x128xf32, #tpu.memory_space<vmem>>
        %dma_wait3A_29 = tpu.memref_squeeze %dma_wait3A_28 : memref<1x128xf32, #tpu.memory_space<vmem>> -> memref<128xf32, #tpu.memory_space<vmem>>
        %dma_wait3A_30 = arith.constant 0 : i32
        %dma_wait3A_31 = tpu.memref_slice %arg12[%scan3A_20, %dma_wait3A_30] : memref<79x128xi32, #tpu.memory_space<vmem>> -> memref<1x128xi32, #tpu.memory_space<vmem>>
        %dma_wait3A_32 = tpu.memref_squeeze %dma_wait3A_31 : memref<1x128xi32, #tpu.memory_space<vmem>> -> memref<128xi32, #tpu.memory_space<vmem>>
        %dma_wait3A_33 = arith.constant 0 : i32
        %dma_wait3A_34 = tpu.memref_slice %arg15[%dma_wait3A_33] : memref<10240xf32, #tpu.memory_space<vmem_shared>> -> memref<10240xf32, #tpu.memory_space<vmem_shared>>
        tpu.wait_indirect_dma semaphore(%run_scoped3A : memref<!tpu.dma_semaphore, #tpu.memory_space<semaphore_mem>>) src(%dma_wait3A_34 : memref<10240xf32, #tpu.memory_space<vmem_shared>>) dst(%dma_wait3A_29 : memref<128xf32, #tpu.memory_space<vmem>>)
        tpu.yield
      }) : () -> ()
      "tpu.region"() ({
        %run_scoped3A = tpu.sem_alloc : memref<!tpu.dma_semaphore, #tpu.memory_space<semaphore_mem>>
        %dma_start3A = arith.constant 0 : i32
        %dma_start3A_21 = tpu.memref_slice %arg14[%scan3A_20, %dma_start3A] : memref<79x128xf32, #tpu.memory_space<vmem>> -> memref<1x128xf32, #tpu.memory_space<vmem>>
        %dma_start3A_22 = tpu.memref_squeeze %dma_start3A_21 : memref<1x128xf32, #tpu.memory_space<vmem>> -> memref<128xf32, #tpu.memory_space<vmem>>
        %dma_start3A_23 = arith.constant 0 : i32
        %dma_start3A_24 = tpu.memref_slice %arg13[%scan3A_20, %dma_start3A_23] : memref<79x128xi32, #tpu.memory_space<vmem>> -> memref<1x128xi32, #tpu.memory_space<vmem>>
        %dma_start3A_25 = tpu.memref_squeeze %dma_start3A_24 : memref<1x128xi32, #tpu.memory_space<vmem>> -> memref<128xi32, #tpu.memory_space<vmem>>
        %dma_start3A_26 = arith.constant 0 : i32
        %dma_start3A_27 = tpu.memref_slice %arg19[%dma_start3A_26] : memref<10240xf32, #tpu.memory_space<vmem_shared>> -> memref<10240xf32, #tpu.memory_space<vmem_shared>>
        tpu.enqueue_indirect_dma source(%dma_start3A_22 : memref<128xf32, #tpu.memory_space<vmem>>) target(%dma_start3A_27 : memref<10240xf32, #tpu.memory_space<vmem_shared>>) offsets(%dma_start3A_25 : memref<128xi32, #tpu.memory_space<vmem>>) semaphore(%run_scoped3A : memref<!tpu.dma_semaphore, #tpu.memory_space<semaphore_mem>>) {add = true}
        %dma_wait3A = arith.constant 0 : i32
        %dma_wait3A_28 = tpu.memref_slice %arg14[%scan3A_20, %dma_wait3A] : memref<79x128xf32, #tpu.memory_space<vmem>> -> memref<1x128xf32, #tpu.memory_space<vmem>>
        %dma_wait3A_29 = tpu.memref_squeeze %dma_wait3A_28 : memref<1x128xf32, #tpu.memory_space<vmem>> -> memref<128xf32, #tpu.memory_space<vmem>>
        %dma_wait3A_30 = arith.constant 0 : i32
        %dma_wait3A_31 = tpu.memref_slice %arg13[%scan3A_20, %dma_wait3A_30] : memref<79x128xi32, #tpu.memory_space<vmem>> -> memref<1x128xi32, #tpu.memory_space<vmem>>
        %dma_wait3A_32 = tpu.memref_squeeze %dma_wait3A_31 : memref<1x128xi32, #tpu.memory_space<vmem>> -> memref<128xi32, #tpu.memory_space<vmem>>
        %dma_wait3A_33 = arith.constant 0 : i32
        %dma_wait3A_34 = tpu.memref_slice %arg19[%dma_wait3A_33] : memref<10240xf32, #tpu.memory_space<vmem_shared>> -> memref<10240xf32, #tpu.memory_space<vmem_shared>>
        tpu.wait_indirect_dma semaphore(%run_scoped3A : memref<!tpu.dma_semaphore, #tpu.memory_space<semaphore_mem>>) src(%dma_wait3A_29 : memref<128xf32, #tpu.memory_space<vmem>>) dst(%dma_wait3A_34 : memref<10240xf32, #tpu.memory_space<vmem_shared>>)
        tpu.yield
      }) : () -> ()
      "tpu.region"() ({
        %run_scoped3A = tpu.sem_alloc : memref<!tpu.dma_semaphore, #tpu.memory_space<semaphore_mem>>
        %dma_start3A = arith.constant 0 : i32
        %dma_start3A_21 = tpu.memref_slice %arg14[%scan3A_20, %dma_start3A] : memref<79x128xf32, #tpu.memory_space<vmem>> -> memref<1x128xf32, #tpu.memory_space<vmem>>
        %dma_start3A_22 = tpu.memref_squeeze %dma_start3A_21 : memref<1x128xf32, #tpu.memory_space<vmem>> -> memref<128xf32, #tpu.memory_space<vmem>>
        %dma_start3A_23 = arith.constant 0 : i32
        %dma_start3A_24 = tpu.memref_slice %arg12[%scan3A_20, %dma_start3A_23] : memref<79x128xi32, #tpu.memory_space<vmem>> -> memref<1x128xi32, #tpu.memory_space<vmem>>
        %dma_start3A_25 = tpu.memref_squeeze %dma_start3A_24 : memref<1x128xi32, #tpu.memory_space<vmem>> -> memref<128xi32, #tpu.memory_space<vmem>>
        %dma_start3A_26 = arith.constant 0 : i32
        %dma_start3A_27 = tpu.memref_slice %arg17[%dma_start3A_26] : memref<10240xf32, #tpu.memory_space<vmem_shared>> -> memref<10240xf32, #tpu.memory_space<vmem_shared>>
        tpu.enqueue_indirect_dma source(%dma_start3A_27 : memref<10240xf32, #tpu.memory_space<vmem_shared>>) target(%dma_start3A_22 : memref<128xf32, #tpu.memory_space<vmem>>) offsets(%dma_start3A_25 : memref<128xi32, #tpu.memory_space<vmem>>) semaphore(%run_scoped3A : memref<!tpu.dma_semaphore, #tpu.memory_space<semaphore_mem>>)
        %dma_wait3A = arith.constant 0 : i32
        %dma_wait3A_28 = tpu.memref_slice %arg14[%scan3A_20, %dma_wait3A] : memref<79x128xf32, #tpu.memory_space<vmem>> -> memref<1x128xf32, #tpu.memory_space<vmem>>
        %dma_wait3A_29 = tpu.memref_squeeze %dma_wait3A_28 : memref<1x128xf32, #tpu.memory_space<vmem>> -> memref<128xf32, #tpu.memory_space<vmem>>
        %dma_wait3A_30 = arith.constant 0 : i32
        %dma_wait3A_31 = tpu.memref_slice %arg12[%scan3A_20, %dma_wait3A_30] : memref<79x128xi32, #tpu.memory_space<vmem>> -> memref<1x128xi32, #tpu.memory_space<vmem>>
        %dma_wait3A_32 = tpu.memref_squeeze %dma_wait3A_31 : memref<1x128xi32, #tpu.memory_space<vmem>> -> memref<128xi32, #tpu.memory_space<vmem>>
        %dma_wait3A_33 = arith.constant 0 : i32
        %dma_wait3A_34 = tpu.memref_slice %arg17[%dma_wait3A_33] : memref<10240xf32, #tpu.memory_space<vmem_shared>> -> memref<10240xf32, #tpu.memory_space<vmem_shared>>
        tpu.wait_indirect_dma semaphore(%run_scoped3A : memref<!tpu.dma_semaphore, #tpu.memory_space<semaphore_mem>>) src(%dma_wait3A_34 : memref<10240xf32, #tpu.memory_space<vmem_shared>>) dst(%dma_wait3A_29 : memref<128xf32, #tpu.memory_space<vmem>>)
        tpu.yield
      }) : () -> ()
      "tpu.region"() ({
        %run_scoped3A = tpu.sem_alloc : memref<!tpu.dma_semaphore, #tpu.memory_space<semaphore_mem>>
        %dma_start3A = arith.constant 0 : i32
        %dma_start3A_21 = tpu.memref_slice %arg14[%scan3A_20, %dma_start3A] : memref<79x128xf32, #tpu.memory_space<vmem>> -> memref<1x128xf32, #tpu.memory_space<vmem>>
        %dma_start3A_22 = tpu.memref_squeeze %dma_start3A_21 : memref<1x128xf32, #tpu.memory_space<vmem>> -> memref<128xf32, #tpu.memory_space<vmem>>
        %dma_start3A_23 = arith.constant 0 : i32
        %dma_start3A_24 = tpu.memref_slice %arg13[%scan3A_20, %dma_start3A_23] : memref<79x128xi32, #tpu.memory_space<vmem>> -> memref<1x128xi32, #tpu.memory_space<vmem>>
        %dma_start3A_25 = tpu.memref_squeeze %dma_start3A_24 : memref<1x128xi32, #tpu.memory_space<vmem>> -> memref<128xi32, #tpu.memory_space<vmem>>
        %dma_start3A_26 = arith.constant 0 : i32
        %dma_start3A_27 = tpu.memref_slice %arg21[%dma_start3A_26] : memref<10240xf32, #tpu.memory_space<vmem_shared>> -> memref<10240xf32, #tpu.memory_space<vmem_shared>>
        tpu.enqueue_indirect_dma source(%dma_start3A_22 : memref<128xf32, #tpu.memory_space<vmem>>) target(%dma_start3A_27 : memref<10240xf32, #tpu.memory_space<vmem_shared>>) offsets(%dma_start3A_25 : memref<128xi32, #tpu.memory_space<vmem>>) semaphore(%run_scoped3A : memref<!tpu.dma_semaphore, #tpu.memory_space<semaphore_mem>>) {add = true}
        %dma_wait3A = arith.constant 0 : i32
        %dma_wait3A_28 = tpu.memref_slice %arg14[%scan3A_20, %dma_wait3A] : memref<79x128xf32, #tpu.memory_space<vmem>> -> memref<1x128xf32, #tpu.memory_space<vmem>>
        %dma_wait3A_29 = tpu.memref_squeeze %dma_wait3A_28 : memref<1x128xf32, #tpu.memory_space<vmem>> -> memref<128xf32, #tpu.memory_space<vmem>>
        %dma_wait3A_30 = arith.constant 0 : i32
        %dma_wait3A_31 = tpu.memref_slice %arg13[%scan3A_20, %dma_wait3A_30] : memref<79x128xi32, #tpu.memory_space<vmem>> -> memref<1x128xi32, #tpu.memory_space<vmem>>
        %dma_wait3A_32 = tpu.memref_squeeze %dma_wait3A_31 : memref<1x128xi32, #tpu.memory_space<vmem>> -> memref<128xi32, #tpu.memory_space<vmem>>
        %dma_wait3A_33 = arith.constant 0 : i32
        %dma_wait3A_34 = tpu.memref_slice %arg21[%dma_wait3A_33] : memref<10240xf32, #tpu.memory_space<vmem_shared>> -> memref<10240xf32, #tpu.memory_space<vmem_shared>>
        tpu.wait_indirect_dma semaphore(%run_scoped3A : memref<!tpu.dma_semaphore, #tpu.memory_space<semaphore_mem>>) src(%dma_wait3A_29 : memref<128xf32, #tpu.memory_space<vmem>>) dst(%dma_wait3A_34 : memref<10240xf32, #tpu.memory_space<vmem_shared>>)
        tpu.yield
      }) : () -> ()
    }
    %scan3A_13 = arith.constant 79 : i32
    %barrier3A_14 = arith.constant 0 : index
    tpu.barrier barrier_id(%barrier3A_14)
    %eq3A_15 = arith.constant 0 : i32
    %eq3A_16 = arith.cmpi eq, %arg1, %eq3A_15 : i32
    %convert_element_type3A_17 = arith.extui %eq3A_16 : i1 to i32
    %cond3A_18 = arith.constant 0 : i32
    %cond3A_19 = arith.cmpi ne, %convert_element_type3A_17, %cond3A_18 : i32
    scf.if %cond3A_19 {
      %mul3A_20 = arith.constant 4 : i32
      %mul3A_21 = arith.muli %arg0, %mul3A_20 : i32
      "tpu.region"() ({
        %run_scoped3A = tpu.sem_alloc : memref<!tpu.dma_semaphore, #tpu.memory_space<semaphore_mem>>
        %dma_start3A = arith.constant 0 : i32
        %dma_start3A_34 = tpu.memref_slice %arg11[%mul3A_21, %dma_start3A] : memref<8x10240xf32, #tpu.memory_space<hbm>> -> memref<1x10240xf32, #tpu.memory_space<hbm>>
        %dma_start3A_35 = tpu.memref_squeeze %dma_start3A_34 : memref<1x10240xf32, #tpu.memory_space<hbm>> -> memref<10240xf32, #tpu.memory_space<hbm>>
        tpu.enqueue_dma source(%arg19 : memref<10240xf32, #tpu.memory_space<vmem_shared>>) target(%dma_start3A_35 : memref<10240xf32, #tpu.memory_space<hbm>>) target_semaphore(%run_scoped3A : memref<!tpu.dma_semaphore, #tpu.memory_space<semaphore_mem>>)
        %dma_wait3A = arith.constant 0 : i32
        %dma_wait3A_36 = tpu.memref_slice %arg11[%mul3A_21, %dma_wait3A] : memref<8x10240xf32, #tpu.memory_space<hbm>> -> memref<1x10240xf32, #tpu.memory_space<hbm>>
        %dma_wait3A_37 = tpu.memref_squeeze %dma_wait3A_36 : memref<1x10240xf32, #tpu.memory_space<hbm>> -> memref<10240xf32, #tpu.memory_space<hbm>>
        tpu.wait_dma2 semaphore(%run_scoped3A : memref<!tpu.dma_semaphore, #tpu.memory_space<semaphore_mem>>) src(%arg19 : memref<10240xf32, #tpu.memory_space<vmem_shared>>) dst(%dma_wait3A_37 : memref<10240xf32, #tpu.memory_space<hbm>>)
        tpu.yield
      }) : () -> ()
      %mul3A_22 = arith.constant 4 : i32
      %mul3A_23 = arith.muli %arg0, %mul3A_22 : i32
      %add3A_24 = arith.constant 1 : i32
      %add3A_25 = arith.addi %mul3A_23, %add3A_24 : i32
      "tpu.region"() ({
        %run_scoped3A = tpu.sem_alloc : memref<!tpu.dma_semaphore, #tpu.memory_space<semaphore_mem>>
        %dma_start3A = arith.constant 0 : i32
        %dma_start3A_34 = tpu.memref_slice %arg11[%add3A_25, %dma_start3A] : memref<8x10240xf32, #tpu.memory_space<hbm>> -> memref<1x10240xf32, #tpu.memory_space<hbm>>
        %dma_start3A_35 = tpu.memref_squeeze %dma_start3A_34 : memref<1x10240xf32, #tpu.memory_space<hbm>> -> memref<10240xf32, #tpu.memory_space<hbm>>
        tpu.enqueue_dma source(%arg20 : memref<10240xf32, #tpu.memory_space<vmem_shared>>) target(%dma_start3A_35 : memref<10240xf32, #tpu.memory_space<hbm>>) target_semaphore(%run_scoped3A : memref<!tpu.dma_semaphore, #tpu.memory_space<semaphore_mem>>)
        %dma_wait3A = arith.constant 0 : i32
        %dma_wait3A_36 = tpu.memref_slice %arg11[%add3A_25, %dma_wait3A] : memref<8x10240xf32, #tpu.memory_space<hbm>> -> memref<1x10240xf32, #tpu.memory_space<hbm>>
        %dma_wait3A_37 = tpu.memref_squeeze %dma_wait3A_36 : memref<1x10240xf32, #tpu.memory_space<hbm>> -> memref<10240xf32, #tpu.memory_space<hbm>>
        tpu.wait_dma2 semaphore(%run_scoped3A : memref<!tpu.dma_semaphore, #tpu.memory_space<semaphore_mem>>) src(%arg20 : memref<10240xf32, #tpu.memory_space<vmem_shared>>) dst(%dma_wait3A_37 : memref<10240xf32, #tpu.memory_space<hbm>>)
        tpu.yield
      }) : () -> ()
      %mul3A_26 = arith.constant 4 : i32
      %mul3A_27 = arith.muli %arg0, %mul3A_26 : i32
      %add3A_28 = arith.constant 2 : i32
      %add3A_29 = arith.addi %mul3A_27, %add3A_28 : i32
      "tpu.region"() ({
        %run_scoped3A = tpu.sem_alloc : memref<!tpu.dma_semaphore, #tpu.memory_space<semaphore_mem>>
        %dma_start3A = arith.constant 0 : i32
        %dma_start3A_34 = tpu.memref_slice %arg11[%add3A_29, %dma_start3A] : memref<8x10240xf32, #tpu.memory_space<hbm>> -> memref<1x10240xf32, #tpu.memory_space<hbm>>
        %dma_start3A_35 = tpu.memref_squeeze %dma_start3A_34 : memref<1x10240xf32, #tpu.memory_space<hbm>> -> memref<10240xf32, #tpu.memory_space<hbm>>
        tpu.enqueue_dma source(%arg21 : memref<10240xf32, #tpu.memory_space<vmem_shared>>) target(%dma_start3A_35 : memref<10240xf32, #tpu.memory_space<hbm>>) target_semaphore(%run_scoped3A : memref<!tpu.dma_semaphore, #tpu.memory_space<semaphore_mem>>)
        %dma_wait3A = arith.constant 0 : i32
        %dma_wait3A_36 = tpu.memref_slice %arg11[%add3A_29, %dma_wait3A] : memref<8x10240xf32, #tpu.memory_space<hbm>> -> memref<1x10240xf32, #tpu.memory_space<hbm>>
        %dma_wait3A_37 = tpu.memref_squeeze %dma_wait3A_36 : memref<1x10240xf32, #tpu.memory_space<hbm>> -> memref<10240xf32, #tpu.memory_space<hbm>>
        tpu.wait_dma2 semaphore(%run_scoped3A : memref<!tpu.dma_semaphore, #tpu.memory_space<semaphore_mem>>) src(%arg21 : memref<10240xf32, #tpu.memory_space<vmem_shared>>) dst(%dma_wait3A_37 : memref<10240xf32, #tpu.memory_space<hbm>>)
        tpu.yield
      }) : () -> ()
      %mul3A_30 = arith.constant 4 : i32
      %mul3A_31 = arith.muli %arg0, %mul3A_30 : i32
      %add3A_32 = arith.constant 3 : i32
      %add3A_33 = arith.addi %mul3A_31, %add3A_32 : i32
      "tpu.region"() ({
        %run_scoped3A = tpu.sem_alloc : memref<!tpu.dma_semaphore, #tpu.memory_space<semaphore_mem>>
        %dma_start3A = arith.constant 0 : i32
        %dma_start3A_34 = tpu.memref_slice %arg11[%add3A_33, %dma_start3A] : memref<8x10240xf32, #tpu.memory_space<hbm>> -> memref<1x10240xf32, #tpu.memory_space<hbm>>
        %dma_start3A_35 = tpu.memref_squeeze %dma_start3A_34 : memref<1x10240xf32, #tpu.memory_space<hbm>> -> memref<10240xf32, #tpu.memory_space<hbm>>
        tpu.enqueue_dma source(%arg22 : memref<10240xf32, #tpu.memory_space<vmem_shared>>) target(%dma_start3A_35 : memref<10240xf32, #tpu.memory_space<hbm>>) target_semaphore(%run_scoped3A : memref<!tpu.dma_semaphore, #tpu.memory_space<semaphore_mem>>)
        %dma_wait3A = arith.constant 0 : i32
        %dma_wait3A_36 = tpu.memref_slice %arg11[%add3A_33, %dma_wait3A] : memref<8x10240xf32, #tpu.memory_space<hbm>> -> memref<1x10240xf32, #tpu.memory_space<hbm>>
        %dma_wait3A_37 = tpu.memref_squeeze %dma_wait3A_36 : memref<1x10240xf32, #tpu.memory_space<hbm>> -> memref<10240xf32, #tpu.memory_space<hbm>>
        tpu.wait_dma2 semaphore(%run_scoped3A : memref<!tpu.dma_semaphore, #tpu.memory_space<semaphore_mem>>) src(%arg22 : memref<10240xf32, #tpu.memory_space<vmem_shared>>) dst(%dma_wait3A_37 : memref<10240xf32, #tpu.memory_space<hbm>>)
        tpu.yield
      }) : () -> ()
    } else {
    }
    return
  }
}

module attributes {stable_mosaic.version = 14 : i64} {
  func.func @_dense_body(%arg0: memref<4x10000xf32, #tpu.memory_space<vmem>>, %arg1: memref<10000x128xf32, #tpu.memory_space<vmem>>, %arg2: memref<10000x128xf32, #tpu.memory_space<vmem>>, %arg3: memref<128x128xf32, #tpu.memory_space<vmem>>, %arg4: memref<1x128xf32, #tpu.memory_space<vmem>>, %arg5: memref<128x128xf32, #tpu.memory_space<vmem>>, %arg6: memref<1x128xf32, #tpu.memory_space<vmem>>, %arg7: memref<128x128xf32, #tpu.memory_space<vmem>>, %arg8: memref<1x1xf32, #tpu.memory_space<vmem>>, %arg9: memref<4x10000xf32, #tpu.memory_space<vmem>>, %arg10: memref<4x10000xf32, #tpu.memory_space<vmem>>) attributes {dimension_semantics = [], scalar_prefetch = 0 : i64, scratch_operands = 0 : i64, tpu.core_type = #tpu.core_type<tc>} {
    %get3A = arith.constant 0 : index
    %get3A_0 = arith.constant 0 : index
    %get3A_1 = vector.load %arg0[%get3A, %get3A_0] : memref<4x10000xf32, #tpu.memory_space<vmem>>, vector<4x10000xf32>
    %slice3A = vector.extract_strided_slice %get3A_1 {offsets = [0, 0], sizes = [1, 10000], strides = [1, 1]} : vector<4x10000xf32> to vector<1x10000xf32>
    %slice3A_2 = vector.extract_strided_slice %get3A_1 {offsets = [2, 0], sizes = [1, 10000], strides = [1, 1]} : vector<4x10000xf32> to vector<1x10000xf32>
    %add3A = arith.addf %slice3A, %slice3A_2 : vector<1x10000xf32>
    %slice3A_3 = vector.extract_strided_slice %get3A_1 {offsets = [1, 0], sizes = [1, 10000], strides = [1, 1]} : vector<4x10000xf32> to vector<1x10000xf32>
    %slice3A_4 = vector.extract_strided_slice %get3A_1 {offsets = [3, 0], sizes = [1, 10000], strides = [1, 1]} : vector<4x10000xf32> to vector<1x10000xf32>
    %add3A_5 = arith.addf %slice3A_3, %slice3A_4 : vector<1x10000xf32>
    %get3A_6 = arith.constant 0 : index
    %get3A_7 = arith.constant 0 : index
    %get3A_8 = vector.load %arg1[%get3A_6, %get3A_7] : memref<10000x128xf32, #tpu.memory_space<vmem>>, vector<10000x128xf32>
    %get3A_9 = arith.constant 0 : index
    %get3A_10 = arith.constant 0 : index
    %get3A_11 = vector.load %arg2[%get3A_9, %get3A_10] : memref<10000x128xf32, #tpu.memory_space<vmem>>, vector<10000x128xf32>
    %dot_general3A = arith.constant dense<0.000000e+00> : vector<1x128xf32>
    %dot_general3A_12 = tpu.matmul %add3A, %get3A_8, %dot_general3A {dimension_numbers = #tpu.dot_dimension_numbers<[1], [0], [0], [1], [0, 0, 1, 1], [], []>, precision = #tpu.contract_precision<fp32>, transpose_lhs_hint = false} : vector<1x10000xf32>, vector<10000x128xf32>, vector<1x128xf32> -> vector<1x128xf32>
    %mul3A = arith.constant 9.99999974E-5 : f32
    %mul3A_13 = vector.broadcast %mul3A : f32 to vector<1x128xf32>
    %mul3A_14 = arith.mulf %dot_general3A_12, %mul3A_13 : vector<1x128xf32>
    %dot_general3A_15 = arith.constant dense<0.000000e+00> : vector<1x128xf32>
    %dot_general3A_16 = tpu.matmul %add3A_5, %get3A_8, %dot_general3A_15 {dimension_numbers = #tpu.dot_dimension_numbers<[1], [0], [0], [1], [0, 0, 1, 1], [], []>, precision = #tpu.contract_precision<fp32>, transpose_lhs_hint = false} : vector<1x10000xf32>, vector<10000x128xf32>, vector<1x128xf32> -> vector<1x128xf32>
    %mul3A_17 = arith.constant 9.99999974E-5 : f32
    %mul3A_18 = vector.broadcast %mul3A_17 : f32 to vector<1x128xf32>
    %mul3A_19 = arith.mulf %dot_general3A_16, %mul3A_18 : vector<1x128xf32>
    %get3A_20 = arith.constant 0 : index
    %get3A_21 = arith.constant 0 : index
    %get3A_22 = vector.load %arg4[%get3A_20, %get3A_21] : memref<1x128xf32, #tpu.memory_space<vmem>>, vector<1x128xf32>
    %get3A_23 = arith.constant 0 : index
    %get3A_24 = arith.constant 0 : index
    %get3A_25 = vector.load %arg6[%get3A_23, %get3A_24] : memref<1x128xf32, #tpu.memory_space<vmem>>, vector<1x128xf32>
    %get3A_26 = arith.constant 0 : index
    %get3A_27 = arith.constant 0 : index
    %get3A_28 = vector.load %arg3[%get3A_26, %get3A_27] : memref<128x128xf32, #tpu.memory_space<vmem>>, vector<128x128xf32>
    %dot_general3A_29 = arith.constant dense<0.000000e+00> : vector<1x128xf32>
    %dot_general3A_30 = tpu.matmul %mul3A_14, %get3A_28, %dot_general3A_29 {dimension_numbers = #tpu.dot_dimension_numbers<[1], [0], [0], [1], [0, 0, 1, 1], [], []>, precision = #tpu.contract_precision<fp32>, transpose_lhs_hint = false} : vector<1x128xf32>, vector<128x128xf32>, vector<1x128xf32> -> vector<1x128xf32>
    %add3A_31 = arith.addf %dot_general3A_30, %get3A_22 : vector<1x128xf32>
    %logistic3A = arith.negf %add3A_31 : vector<1x128xf32>
    %logistic3A_32 = math.exp %logistic3A : vector<1x128xf32>
    %logistic3A_33 = arith.constant 1.000000e+00 : f32
    %logistic3A_34 = vector.broadcast %logistic3A_33 : f32 to vector<1x128xf32>
    %logistic3A_35 = arith.addf %logistic3A_34, %logistic3A_32 : vector<1x128xf32>
    %logistic3A_36 = arith.divf %logistic3A_34, %logistic3A_35 : vector<1x128xf32>
    %get3A_37 = arith.constant 0 : index
    %get3A_38 = arith.constant 0 : index
    %get3A_39 = vector.load %arg5[%get3A_37, %get3A_38] : memref<128x128xf32, #tpu.memory_space<vmem>>, vector<128x128xf32>
    %dot_general3A_40 = arith.constant dense<0.000000e+00> : vector<1x128xf32>
    %dot_general3A_41 = tpu.matmul %mul3A_19, %get3A_39, %dot_general3A_40 {dimension_numbers = #tpu.dot_dimension_numbers<[1], [0], [0], [1], [0, 0, 1, 1], [], []>, precision = #tpu.contract_precision<fp32>, transpose_lhs_hint = false} : vector<1x128xf32>, vector<128x128xf32>, vector<1x128xf32> -> vector<1x128xf32>
    %add3A_42 = arith.addf %dot_general3A_41, %get3A_25 : vector<1x128xf32>
    %logistic3A_43 = arith.negf %add3A_42 : vector<1x128xf32>
    %logistic3A_44 = math.exp %logistic3A_43 : vector<1x128xf32>
    %logistic3A_45 = arith.constant 1.000000e+00 : f32
    %logistic3A_46 = vector.broadcast %logistic3A_45 : f32 to vector<1x128xf32>
    %logistic3A_47 = arith.addf %logistic3A_46, %logistic3A_44 : vector<1x128xf32>
    %logistic3A_48 = arith.divf %logistic3A_46, %logistic3A_47 : vector<1x128xf32>
    %get3A_49 = arith.constant 0 : index
    %get3A_50 = arith.constant 0 : index
    %get3A_51 = vector.load %arg7[%get3A_49, %get3A_50] : memref<128x128xf32, #tpu.memory_space<vmem>>, vector<128x128xf32>
    %dot_general3A_52 = arith.constant dense<0.000000e+00> : vector<1x128xf32>
    %dot_general3A_53 = tpu.matmul %logistic3A_36, %get3A_51, %dot_general3A_52 {dimension_numbers = #tpu.dot_dimension_numbers<[1], [1], [0], [0], [0, 0, 1, 0], [], []>, precision = #tpu.contract_precision<fp32>, transpose_lhs_hint = false} : vector<1x128xf32>, vector<128x128xf32>, vector<1x128xf32> -> vector<1x128xf32>
    %get3A_54 = arith.constant 0 : index
    %get3A_55 = arith.constant 0 : index
    %get3A_56 = vector.load %arg7[%get3A_54, %get3A_55] : memref<128x128xf32, #tpu.memory_space<vmem>>, vector<128x128xf32>
    %dot_general3A_57 = arith.constant dense<0.000000e+00> : vector<1x128xf32>
    %dot_general3A_58 = tpu.matmul %logistic3A_48, %get3A_56, %dot_general3A_57 {dimension_numbers = #tpu.dot_dimension_numbers<[1], [1], [0], [0], [0, 0, 1, 0], [], []>, precision = #tpu.contract_precision<fp32>, transpose_lhs_hint = false} : vector<1x128xf32>, vector<128x128xf32>, vector<1x128xf32> -> vector<1x128xf32>
    %get3A_59 = arith.constant 0 : index
    %get3A_60 = arith.constant 0 : index
    %get3A_61 = vector.load %arg5[%get3A_59, %get3A_60] : memref<128x128xf32, #tpu.memory_space<vmem>>, vector<128x128xf32>
    %dot_general3A_62 = arith.constant dense<0.000000e+00> : vector<1x128xf32>
    %dot_general3A_63 = tpu.matmul %dot_general3A_53, %get3A_61, %dot_general3A_62 {dimension_numbers = #tpu.dot_dimension_numbers<[1], [1], [0], [0], [0, 0, 1, 0], [], []>, precision = #tpu.contract_precision<fp32>, transpose_lhs_hint = false} : vector<1x128xf32>, vector<128x128xf32>, vector<1x128xf32> -> vector<1x128xf32>
    %get3A_64 = arith.constant 0 : index
    %get3A_65 = arith.constant 0 : index
    %get3A_66 = vector.load %arg3[%get3A_64, %get3A_65] : memref<128x128xf32, #tpu.memory_space<vmem>>, vector<128x128xf32>
    %dot_general3A_67 = arith.constant dense<0.000000e+00> : vector<1x128xf32>
    %dot_general3A_68 = tpu.matmul %dot_general3A_58, %get3A_66, %dot_general3A_67 {dimension_numbers = #tpu.dot_dimension_numbers<[1], [1], [0], [0], [0, 0, 1, 0], [], []>, precision = #tpu.contract_precision<fp32>, transpose_lhs_hint = false} : vector<1x128xf32>, vector<128x128xf32>, vector<1x128xf32> -> vector<1x128xf32>
    %get3A_69 = arith.constant 0 : index
    %get3A_70 = arith.constant 0 : index
    %get3A_71 = vector.load %arg8[%get3A_69, %get3A_70] : memref<1x1xf32, #tpu.memory_space<vmem>>, vector<1x1xf32>
    %reduce_sum3A = vector.shape_cast %get3A_71 : vector<1x1xf32> to vector<1x1x1xf32>
    %reduce_sum3A_72 = arith.constant dense<0.000000e+00> : vector<1xf32>
    %reduce_sum3A_73 = vector.multi_reduction <add>, %reduce_sum3A, %reduce_sum3A_72 [1, 2] : vector<1x1x1xf32> to vector<1xf32>
    %reduce_sum3A_74 = vector.shape_cast %reduce_sum3A_73 : vector<1xf32> to vector<1x1x1xf32>
    %reduce_sum3A_75 = vector.extract %reduce_sum3A_74[0, 0, 0] : f32 from vector<1x1x1xf32>
    %mul3A_76 = arith.mulf %get3A_25, %dot_general3A_53 : vector<1x128xf32>
    %reduce_sum3A_77 = vector.shape_cast %mul3A_76 : vector<1x128xf32> to vector<1x1x128xf32>
    %reduce_sum3A_78 = arith.constant dense<0.000000e+00> : vector<1xf32>
    %reduce_sum3A_79 = vector.multi_reduction <add>, %reduce_sum3A_77, %reduce_sum3A_78 [1, 2] : vector<1x1x128xf32> to vector<1xf32>
    %reduce_sum3A_80 = vector.shape_cast %reduce_sum3A_79 : vector<1xf32> to vector<1x1x1xf32>
    %reduce_sum3A_81 = vector.extract %reduce_sum3A_80[0, 0, 0] : f32 from vector<1x1x1xf32>
    %add3A_82 = arith.addf %reduce_sum3A_81, %reduce_sum3A_75 : f32
    %mul3A_83 = arith.mulf %get3A_22, %dot_general3A_58 : vector<1x128xf32>
    %reduce_sum3A_84 = vector.shape_cast %mul3A_83 : vector<1x128xf32> to vector<1x1x128xf32>
    %reduce_sum3A_85 = arith.constant dense<0.000000e+00> : vector<1xf32>
    %reduce_sum3A_86 = vector.multi_reduction <add>, %reduce_sum3A_84, %reduce_sum3A_85 [1, 2] : vector<1x1x128xf32> to vector<1xf32>
    %reduce_sum3A_87 = vector.shape_cast %reduce_sum3A_86 : vector<1xf32> to vector<1x1x1xf32>
    %reduce_sum3A_88 = vector.extract %reduce_sum3A_87[0, 0, 0] : f32 from vector<1x1x1xf32>
    %add3A_89 = arith.addf %reduce_sum3A_88, %reduce_sum3A_75 : f32
    %mul3A_90 = vector.broadcast %dot_general3A_63 : vector<1x128xf32> to vector<10000x128xf32>
    %mul3A_91 = arith.mulf %get3A_8, %mul3A_90 : vector<10000x128xf32>
    %reduce_sum3A_92 = arith.constant dense<0.000000e+00> : vector<10000xf32>
    %reduce_sum3A_93 = vector.multi_reduction <add>, %mul3A_91, %reduce_sum3A_92 [1] : vector<10000x128xf32> to vector<10000xf32>
    %mul3A_94 = vector.broadcast %dot_general3A_68 : vector<1x128xf32> to vector<10000x128xf32>
    %mul3A_95 = arith.mulf %get3A_8, %mul3A_94 : vector<10000x128xf32>
    %reduce_sum3A_96 = arith.constant dense<0.000000e+00> : vector<10000xf32>
    %reduce_sum3A_97 = vector.multi_reduction <add>, %mul3A_95, %reduce_sum3A_96 [1] : vector<10000x128xf32> to vector<10000xf32>
    %mul3A_98 = vector.broadcast %dot_general3A_63 : vector<1x128xf32> to vector<10000x128xf32>
    %mul3A_99 = arith.mulf %get3A_11, %mul3A_98 : vector<10000x128xf32>
    %reduce_sum3A_100 = arith.constant dense<0.000000e+00> : vector<10000xf32>
    %reduce_sum3A_101 = vector.multi_reduction <add>, %mul3A_99, %reduce_sum3A_100 [1] : vector<10000x128xf32> to vector<10000xf32>
    %mul3A_102 = vector.broadcast %dot_general3A_68 : vector<1x128xf32> to vector<10000x128xf32>
    %mul3A_103 = arith.mulf %get3A_11, %mul3A_102 : vector<10000x128xf32>
    %reduce_sum3A_104 = arith.constant dense<0.000000e+00> : vector<10000xf32>
    %reduce_sum3A_105 = vector.multi_reduction <add>, %mul3A_103, %reduce_sum3A_104 [1] : vector<10000x128xf32> to vector<10000xf32>
    %broadcast_in_dim3A = vector.shape_cast %reduce_sum3A_93 : vector<10000xf32> to vector<1x10000xf32>
    %broadcast_in_dim3A_106 = vector.shape_cast %reduce_sum3A_97 : vector<10000xf32> to vector<1x10000xf32>
    %broadcast_in_dim3A_107 = vector.shape_cast %reduce_sum3A_101 : vector<10000xf32> to vector<1x10000xf32>
    %broadcast_in_dim3A_108 = vector.shape_cast %reduce_sum3A_105 : vector<10000xf32> to vector<1x10000xf32>
    %concatenate3A = tpu.concatenate %broadcast_in_dim3A, %broadcast_in_dim3A_106, %broadcast_in_dim3A_107, %broadcast_in_dim3A_108 in 0 : vector<1x10000xf32>, vector<1x10000xf32>, vector<1x10000xf32>, vector<1x10000xf32> -> vector<4x10000xf32>
    %swap3A = arith.constant 0 : index
    %swap3A_109 = arith.constant 0 : index
    %swap3A_110 = vector.load %arg9[%swap3A, %swap3A_109] : memref<4x10000xf32, #tpu.memory_space<vmem>>, vector<4x10000xf32>
    tpu.vector_store %arg9[%swap3A, %swap3A_109], %concatenate3A {strides = array<i32>} : memref<4x10000xf32, #tpu.memory_space<vmem>>, vector<4x10000xf32>,
    %broadcast_in_dim3A_111 = vector.broadcast %add3A_82 : f32 to vector<1x1xf32>
    %broadcast_in_dim3A_112 = vector.broadcast %add3A_89 : f32 to vector<1x1xf32>
    %broadcast_in_dim3A_113 = vector.broadcast %add3A_82 : f32 to vector<1x1xf32>
    %broadcast_in_dim3A_114 = vector.broadcast %add3A_89 : f32 to vector<1x1xf32>
    %concatenate3A_115 = tpu.concatenate %broadcast_in_dim3A_111, %broadcast_in_dim3A_112, %broadcast_in_dim3A_113, %broadcast_in_dim3A_114 in 0 : vector<1x1xf32>, vector<1x1xf32>, vector<1x1xf32>, vector<1x1xf32> -> vector<4x1xf32>
    %broadcast_in_dim3A_116 = vector.shape_cast %concatenate3A_115 : vector<4x1xf32> to vector<4x1xf32>
    %broadcast_in_dim3A_117 = vector.broadcast %broadcast_in_dim3A_116 : vector<4x1xf32> to vector<4x10000xf32>
    %swap3A_118 = arith.constant 0 : index
    %swap3A_119 = arith.constant 0 : index
    %swap3A_120 = vector.load %arg10[%swap3A_118, %swap3A_119] : memref<4x10000xf32, #tpu.memory_space<vmem>>, vector<4x10000xf32>
    tpu.vector_store %arg10[%swap3A_118, %swap3A_119], %broadcast_in_dim3A_117 {strides = array<i32>} : memref<4x10000xf32, #tpu.memory_space<vmem>>, vector<4x10000xf32>,
    return
  }
}

module attributes {stable_mosaic.version = 14 : i64} {
  func.func @_combine_body(%arg0: memref<8x10000xf32, #tpu.memory_space<vmem>>, %arg1: memref<4x10000xf32, #tpu.memory_space<vmem>>, %arg2: memref<4x10000xf32, #tpu.memory_space<vmem>>) attributes {dimension_semantics = [], scalar_prefetch = 0 : i64, scratch_operands = 0 : i64, tpu.core_type = #tpu.core_type<tc>} {
    %get3A = arith.constant 0 : index
    %get3A_0 = arith.constant 0 : index
    %get3A_1 = vector.load %arg0[%get3A, %get3A_0] : memref<8x10000xf32, #tpu.memory_space<vmem>>, vector<8x10000xf32>
    %slice3A = vector.extract_strided_slice %get3A_1 {offsets = [0, 0], sizes = [4, 10000], strides = [1, 1]} : vector<8x10000xf32> to vector<4x10000xf32>
    %slice3A_2 = vector.extract_strided_slice %get3A_1 {offsets = [4, 0], sizes = [4, 10000], strides = [1, 1]} : vector<8x10000xf32> to vector<4x10000xf32>
    %add3A = arith.addf %slice3A, %slice3A_2 : vector<4x10000xf32>
    %get3A_3 = arith.constant 0 : index
    %get3A_4 = arith.constant 0 : index
    %get3A_5 = vector.load %arg1[%get3A_3, %get3A_4] : memref<4x10000xf32, #tpu.memory_space<vmem>>, vector<4x10000xf32>
    %add3A_6 = arith.addf %add3A, %get3A_5 : vector<4x10000xf32>
    %swap3A = arith.constant 0 : index
    %swap3A_7 = arith.constant 0 : index
    %swap3A_8 = vector.load %arg2[%swap3A, %swap3A_7] : memref<4x10000xf32, #tpu.memory_space<vmem>>, vector<4x10000xf32>
    tpu.vector_store %arg2[%swap3A, %swap3A_7], %add3A_6 {strides = array<i32>} : memref<4x10000xf32, #tpu.memory_space<vmem>>, vector<4x10000xf32>,
    return
  }
}

</mosaic_0001>

<sc_bundles>
// kernel: kernel.6.cloned.1.call-start
scs
__scs_entry_jumppad:
0x0: {  	(pc) =	sbr.rel $0x88, $3  }
0x1: {  	(tag) =	ssettag $0x0;
	lr =	simm.s32 $0x1  }
0x2: {  	[smem:$0x3F97] =	sst lr;
	_ =	strace $0xD0000000  }
0x3: {  	_ = 	snop  }
0x4: {  	_ = 	snop  }
0x5: {  	_ = 	snop  }
0x6: {  	_ = 	snop  }
0x7: {  	_ = 	snop  }
__scs_overlays_trampoline_lowered:
0x8: {  	[smem:$0x3FA6] =	sst s0  }
0x9: {  	[smem:$0x3FA7] =	sst s1  }
0xa: {  	[smem:$0x3FA8] =	sst s2  }
0xb: {  	[smem:$0x3FA9] =	sst s3  }
0xc: {  	[smem:$0x3FAA] =	sst s4  }
0xd: {  	[smem:$0x3FAB] =	sst s5  }
0xe: {  	[smem:$0x3FAC] =	sst s6  }
0xf: {  	[smem:$0x3FAD] =	sst s7  }
0x10: {  	[smem:$0x3FAE] =	sst s8  }
0x11: {  	[smem:$0x3FAF] =	sst s9;
	s0 =	simm.s32 @!p0 $0x0  }
0x12: {  	s1 =	sld [smem:$0x3F95];
	s0 =	simm.s32 @p0 $0x1  }
0x13: {  	[smem:$0x3FB0] =	sst s0;
	s0 =	simm.s32 @!p1 $0x0  }
0x14: {  	s2 =	sld [smem:$0x3F94];
	s0 =	simm.s32 @p1 $0x1  }
0x15: {  	[smem:$0x3FB1] =	sst s0;
	s0 =	simm.s32 @!p2 $0x0  }
0x16: {  	s3 =	sld [smem:$0x3FDB];
	s0 =	simm.s32 @p2 $0x1  }
0x17: {  	s4 =	simm.s32 $0x1BF5;
	[smem:$0x3FB3] =	sst s0  }
0x18: {  	s0 =	sld [smem:$0x3F96];
	_ =	swait.ge [sflag:s4], $0x0  }
0x19: {  	s7 =	sld [smem:$0x3F97]  }
0x1a: {  	s8 =	sadd.s32 $0xFFFFE003, lr  }
0x1b: {  	s9 =	sadd.s32 $0xFFFFFEF7, lr;
	s5 =	simm.s32 $0xFFFFFFFF;
	p2 =	slt.u32 s8, $0xFFFFF086  }
0x1c: {  	p1 =	slt.u32 s9, $0xF7A;
	s5 =	simm.s32 @!p2 $0x0  }
0x1d: {  	s5 =	simm.s32 @p1 $0x1;
	p0 =	seq.s32 s7, s2  }
0x1e: {  	s7 =	smul.u32 @!p0 $0xF7A, s2;
	p2 =	seq.s32 @!p0 s5, $0x0  }
0x1f: {  	s9 =	smul.u32 $0xF7A, s1;
	s8 =	simm.s32 @!p0 $0x1BF5;
	p2 =	por !p2, p0  }
0x20: {  	[sflag:s8] =	ssyncset.s32 @!p0 $0xFFFFF086;
	s6 =	sadd.s32 @!p0 s3, s7;
	s7 =	simm.s32 @!p0 $0x108  }
0x21: {  	s3 =	sadd.s32 s3, s9;
	s6 =	sadd.s32 @!p0 $0x88, s6;
	s7 =	simm.s32 @p2 $0x1082  }
0x22: {  	[simem:s7], [sflag:s8] =	dma.local @!p0 [hbm:s6], $0xF7A  }
0x23: {  	s9 =	sor.u32 $0xD0000000, s2;
	s6 =	simm.s32 $0x108;
	_ =	swait.ge @!p0 [sflag:s8], $0x0  }
0x24: {  	s3 =	sadd.s32 $0x88, s3;
	s6 =	simm.s32 @!p1 $0x1082;
	[sflag:s4] =	ssyncset.s32 $0xFFFFF086  }
0x25: {  	[simem:s6], [sflag:s4] =	dma.local [hbm:s3], $0xF7A  }
0x26: {  	[smem:$0x3F97] =	sst s1;
	(tag) =	ssettag s2;
	_ =	strace s9  }
0x27: {  	s1 =	sld [smem:$0x3FA7]  }
0x28: {  	s2 =	sld [smem:$0x3FA8]  }
0x29: {  	s4 =	sld [smem:$0x3FAA]  }
0x2a: {  	p0 =	seq.s32 s5, $0x0;
	s5 =	sld [smem:$0x3FAB]  }
0x2b: {  	s6 =	sld [smem:$0x3FAC]  }
0x2c: {  	s7 =	sld [smem:$0x3FAD]  }
0x2d: {  	s3 =	simm.s32 $0x108;
	s8 =	sld [smem:$0x3FAE]  }
0x2e: {  	s3 =	simm.s32 @!p0 $0x1082;
	s9 =	sld [smem:$0x3FAF]  }
0x2f: {  	lr =	sadd.s32 s0, s3;
	s0 =	sld [smem:$0x3FA6]  }
0x30: {  	s3 =	sld [smem:$0x3FA9]  }
0x31: {  	[smem:$0x3FB2] =	sst s10  }
0x32: {  	s10 =	sld [smem:$0x3FB0];
	_ =	sdelay $0x3  }
0x33: {  	p0 =	seq.s32 s10, $0x1;
	s10 =	sld [smem:$0x3FB2];
	_ =	sdelay $0x3  }
0x34: {  	[smem:$0x3FB2] =	sst s10  }
0x35: {  	s10 =	sld [smem:$0x3FB1];
	_ =	sdelay $0x3  }
0x36: {  	p1 =	seq.s32 s10, $0x1;
	s10 =	sld [smem:$0x3FB2];
	_ =	sdelay $0x3  }
0x37: {  	[smem:$0x3FB2] =	sst s10  }
0x38: {  	s10 =	sld [smem:$0x3FB3]  }
0x39: {  	_ = 	snop;
	(pc) =	sbr.ind lr, $3  }
0x3a: {  	_ = 	snop  }
0x3b: {  	_ = 	snop  }
0x3c: {  	p2 =	seq.s32 s10, $0x1;
	s10 =	sld [smem:$0x3FB2]  }
0x3d: {  	_ =	shalt  }
0x3e: {  	_ =	shalt  }
0x3f: {  	_ =	shalt  }
0x40: {  	_ =	shalt  }
0x41: {  	_ =	shalt  }
0x42: {  	_ =	shalt  }
0x43: {  	_ =	shalt  }
0x44: {  	_ =	shalt  }
0x45: {  	_ =	shalt  }
0x46: {  	_ =	shalt  }
0x47: {  	_ =	shalt  }
0x48: {  	_ =	shalt  }
0x49: {  	_ =	shalt  }
0x4a: {  	_ =	shalt  }
0x4b: {  	_ =	shalt  }
0x4c: {  	_ =	shalt  }
0x4d: {  	_ =	shalt  }
0x4e: {  	_ =	shalt  }
0x4f: {  	_ =	shalt  }
0x50: {  	_ =	shalt  }
0x51: {  	_ =	shalt  }
0x52: {  	_ =	shalt  }
0x53: {  	_ =	shalt  }
0x54: {  	_ =	shalt  }
0x55: {  	_ =	shalt  }
0x56: {  	_ =	shalt  }
0x57: {  	_ =	shalt  }
0x58: {  	_ =	shalt  }
0x59: {  	_ =	shalt  }
0x5a: {  	_ =	shalt  }
0x5b: {  	_ =	shalt  }
0x5c: {  	_ =	shalt  }
0x5d: {  	_ =	shalt  }
0x5e: {  	_ =	shalt  }
0x5f: {  	_ =	shalt  }
0x60: {  	_ =	shalt  }
0x61: {  	_ =	shalt  }
0x62: {  	_ =	shalt  }
0x63: {  	_ =	shalt  }
0x64: {  	_ =	shalt  }
0x65: {  	_ =	shalt  }
0x66: {  	_ =	shalt  }
0x67: {  	_ =	shalt  }
0x68: {  	_ =	shalt  }
0x69: {  	_ =	shalt  }
0x6a: {  	_ =	shalt  }
0x6b: {  	_ =	shalt  }
0x6c: {  	_ =	shalt  }
0x6d: {  	_ =	shalt  }
0x6e: {  	_ =	shalt  }
0x6f: {  	_ =	shalt  }
0x70: {  	_ =	shalt  }
0x71: {  	_ =	shalt  }
0x72: {  	_ =	shalt  }
0x73: {  	_ =	shalt  }
0x74: {  	_ =	shalt  }
0x75: {  	_ =	shalt  }
0x76: {  	_ =	shalt  }
0x77: {  	_ =	shalt  }
0x78: {  	_ =	shalt  }
0x79: {  	_ =	shalt  }
0x7a: {  	_ =	shalt  }
0x7b: {  	_ =	shalt  }
0x7c: {  	_ =	shalt  }
0x7d: {  	_ =	shalt  }
0x7e: {  	_ =	shalt  }
0x7f: {  	_ =	shalt  }
0x80: {  	_ =	shalt  }
0x81: {  	_ =	shalt  }
0x82: {  	_ =	shalt  }
0x83: {  	_ =	shalt  }
0x84: {  	_ =	shalt  }
0x85: {  	_ =	shalt  }
0x86: {  	_ =	shalt  }
0x87: {  	_ =	shalt  }
.Lfunc_end0:
.L_simem_size_0:
called_computation_lowered:
.L_overlay_start_0:
0x88: {  	s2 =	sld [smem:$0x3FD9]  }
0x89: {  	s3 =	sld [smem:$0x3FFE];
	_ =	sdelay $0x1  }
0x8a: {  	s1 =	srdreg.scid  }
0x8b: {  	s0 =	sand.u32 $0x1, s1  }
0x8c: {  	s17 =	sshll.u32 s0, $0xA;
	s2 =	sadd.s32 s3, s2  }
0x8d: {  	s2 =	sadd.s32 s2, s17  }
0x8e: {  	[smem:$0x3FBE] =	sst s2  }
0x8f: {  	_ = 	snop  }
0x90: {  	s2 =	sld [smem:$0x3FD0];
	(tm) =	ssettm $0x1  }
0x91: {  	s18 =	sld [smem:$0x3FFB];
	_ =	sdelay $0x3  }
0x92: {  	_ =	strace s18  }
0x93: {  	s3 =	sld [smem:$0x3FFC];
	_ =	sdelay $0x3  }
0x94: {  	_ =	strace s3  }
0x95: {  	s3 =	sld [smem:$0x3FFD];
	_ =	sdelay $0x3  }
0x96: {  	_ =	strace s3  }
0x97: {  	_ =	strace $0x8FFFFFFF  }
0x98: {  	s19 =	sld [smem:$0x3FDB];
	_ =	sdelay $0x1  }
0x99: {  	s4 =	simm.s32 $_scs_section_size  }
0x9a: {  	s5 =	simm.s32 $_size__tile_overlayer_lowered;
	s6 =	simm.s32 $_tile_overlayer_lowered  }
0x9b: {  	s22 =	simm.s32 $0x1BFF;
	s21 =	sshll.u32 s6, $0x1;
	s3 =	sadd.s32 s4, s19  }
0x9c: {  	s7 =	simm.s32 $0x0;
	s20 =	sshll.u32 s5, $0x1;
	s5 =	sadd.s32 s21, s3  }
0x9d: {  	[timem:s7], [sflag:s22] =	dma.local [hbm:s5], s20  }
0x9e: {  	_ =	swait.ge [sflag:s22], s20  }
0x9f: {  	s4 =	ssub.s32 $0x0, s20;
	[sflag:s22] =	ssyncset.done $0x0  }
0xa0: {  	[sflag:s22] =	ssyncadd.s32 s4;
	_ =	sdelay $0x1  }
0xa1: {  	s23 =	simm.s32 $0x1B8B  }
0xa2: {  	_ =	swait.ge [sflag:s23], $0x1  }
0xa3: {  	[sflag:s23] =	ssyncset.done $0x0  }
0xa4: {  	s25 =	simm.s32 $0x1B8E;
	s24 =	sld [smem:$0x3FFE];
	[sflag:s23] =	ssyncadd.s32 $0xFFFFFFFF  }
0xa5: {  	s26 =	simm.s32 $execute0_lowered;
	[smem:$0x3FD2] =	sst s25  }
0xa6: {  	s5 =	sshll.u32 s26, $0x1;
	_ =	strace $0x80000046;
	[dreg:$0x1] =	wrdreg $0xFFFFFFFF  }
0xa7: {  	s28 =	simm.s32 $_size_execute0_lowered;
	s3 =	sadd.s32 s3, s5;
	[dreg:$0x0] =	wrdreg $0x0  }
0xa8: {  	s5 =	sshll.u32 s28, $0x1;
	[dreg:$0x2] =	wrdreg s3  }
0xa9: {  	[dreg:$0x3] =	wrdreg s5  }
0xaa: {  	[dreg:$0x4] =	wrdreg $0xC0  }
0xab: {  	_ =	task [dreg:s7], $0x5FFFF  }
0xac: {  	[dreg:$0x1] =	wrdreg $0xFFFFFFFF  }
0xad: {  	[dreg:$0x0] =	wrdreg $0x60  }
0xae: {  	[dreg:$0x2] =	wrdreg s24  }
0xaf: {  	[dreg:$0x3] =	wrdreg s2  }
0xb0: {  	[dreg:$0x4] =	wrdreg $0x50000  }
0xb1: {  	[dreg:$0x5] =	wrdreg $0x52800  }
0xb2: {  	[dreg:$0x6] =	wrdreg $0x9  }
0xb3: {  	_ =	task.clear_ibuf [dreg:s7], $0x7FFFF;
	_ =	strace $0x90000046  }
0xb4: {  	s29 =	simm.s32 $0x9;
	_ =	strace $0x80000048  }
0xb5: {  	_ =	swait.ge [sflag:s29], $0x1  }
0xb6: {  	[sflag:s29] =	ssyncadd.s32 $0xFFFFFFFF  }
0xb7: {  	_ =	strace $0x90000048  }
0xb8: {  	_ =	sfence  }
0xb9: {  	s30 =	sld [smem:$0x0];
	_ =	sdelay $0x2  }
0xba: {  	s31 =	sshll.u32 s1, $0xD;
	s1 =	sshrl.u32 s1, $0x2  }
0xbb: {  	s3 =	sand.u32 $0x4000, s31;
	s1 =	sadd.s32 s1, s30  }
0xbc: {  	s0 =	sor.u32 s3, s0;
	s1 =	sshll.u32 s1, $0x11  }
0xbd: {  	s0 =	sor.u32 s1, s0  }
0xbe: {  	s0 =	sadd.s32 $0x8F2B, s0  }
0xbf: {  	[sflag:s0] =	ssyncadd.remote.s32 $0x1  }
0xc0: {  	_ =	sfence.sel $0xFFFF  }
0xc1: {  	[dreg:$0x0] =	wrdreg $0xFFFFFFFF;
	(pc) =	sbr.abs _section_cstart, $3  }
0xc2: {  	[dreg:$0x1] =	wrdreg $0xFFFFFFFF  }
0xc3: {  	_ =	task.clear_ibuf [dreg:s7], $0x2FFFF;
	_ =	strace $0x9FFFFFFF  }
0xc4: {  	(tm) =	ssettm $0x7FFFFFFF  }
0xc5: {  	_ =	shalt  }
tec
execute0_lowered:
.L_overlay_start_1:
0x0: {  	(tag) =	ssettag $0x1  }
0x1: {  	s6 =	rddreg [dreg:$0x0]  }
0x2: {  	s0 =	rddreg [dreg:$0x1]  }
0x3: {  	s1 =	srdreg.scid;
	s2 =	rddreg [dreg:$0x2]  }
0x4: {  	s3 =	rddreg [dreg:$0x3];
	s11 =	stileid.u32  }
0x5: {  	s4 =	simm.s32 $0x0;
	s13 =	simm.s32 $0x2800;
	s14 =	simm.s32 $0x1  }
0x6: {  	s15 =	simm.s32 $0x80;
	s5 =	sand.u32 $0x1, s1;
	s1 =	rddreg [dreg:$0x4]  }
0x7: {  	s16 =	simm.s32 $0x0;
	[smem:$0x7FF] =	sst s4;
	p0 =	sne.s32 s11, $0x0  }
0x8: {  	s7 =	sshll.u32 s5, $0x4;
	_ =	strace $0x80000047;
	s8 =	ssub.s32 $0x2, s5  }
0x9: {  	s9 =	sshll.u32 s5, $0x5;
	s5 =	sadd.s32 $0x15600, s6;
	s7 =	sor.u32 s11, s7  }
0xa: {  	s12 =	sshrl.u32 @!p0 s3, $0x3;
	s10 =	sshrl.u32 s8, $0x1;
	s7 =	smul.u32 $0x500, s7  }
0xb: {  	s9 =	sadd.s32 s9, s6;
	s11 =	sshrl.u32 @!p0 s2, $0x3;
	s10 =	ssub.s32 s8, s10  }
0xc: {  	s8 =	sadd.s32 $0x15C00, s9;
	s9 =	sadd.s32 $0x15C10, s9;
	s7 =	sadd.s32 s7, s6  }
0xd: {  	s10 =	smax.u32 s10, $0x1;
	s6 =	sadd.s32 $0x1600, s7;
	s7 =	sadd.s32 $0xB600, s7  }
.LBB2_1:
0xe: {  	s17 =	simm.s32 @!p0 $0x1C01;
	s18 =	simm.s32 @!p0 $0x1  }
0xf: {  	[spmem:s11], [sflag:s17] =	dma.local @!p0 [hbm:s5], $0x500  }
0x10: {  	_ =	swait.ge @!p0 [sflag:s18], $0x500  }
0x11: {  	[sflag:s18] =	ssyncset.done @!p0 $0x0  }
0x12: {  	[sflag:s18] =	ssyncadd.s32 @!p0 $0xFFFFFB00  }
0x13: {  	[spmem:s12], [sflag:s17] =	dma.local @!p0 [hbm:s5], $0x500  }
0x14: {  	_ =	swait.ge @!p0 [sflag:s18], $0x500  }
0x15: {  	[sflag:s18] =	ssyncset.done @!p0 $0x0  }
0x16: {  	[sflag:s18] =	ssyncadd.s32 @!p0 $0xFFFFFB00  }
0x17: {  	[bflag:$0x0] =	sbarrier.arrive $0xFFFF  }
0x18: {  	[tilespmem:s13], [sflag:$0x1] =	stream.linear.gather [hbm4b:s0+s4], $0x2780, $0x38;
	[tilespmem:$0x5500] =	vst v63  }
0x19: {  	_ =	swait.ge [sflag:s14], $0x2780  }
0x1a: {  	[sflag:s14] =	ssyncset.done $0x0  }
0x1b: {  	[sflag:s14] =	ssyncadd.s32 $0xFFFFD880  }
0x1c: {  	[tilespmem:s4], [sflag:$0x1] =	stream.linear.gather [hbm4b:s6+s4], $0x2780, $0x38;
	[tilespmem:$0x5500] =	vst v63  }
0x1d: {  	_ =	swait.ge [sflag:s14], $0x2780  }
0x1e: {  	[sflag:s14] =	ssyncset.done $0x0  }
0x1f: {  	s30 =	simm.s32 $0x0;
	s31 =	simm.s32 $0x2800;
	[sflag:s14] =	ssyncadd.s32 $0xFFFFD880  }
0x20: {  	[spmem:s2] =	stream.indirect.scatter.add.f32 [tilespmem:s31], [sflag:$0x1], $0x1, s30, s15, $0xb8;
	[tilespmem:$0x5500] =	vst v63  }
0x21: {  	s17 =	simm.s32 $0x200;
	_ =	swait.ge [sflag:s14], $0x80  }
.LBB2_2:
0x22: {  	s18 =	sshra.s32 s17, $0x2;
	[sflag:s14] =	ssyncset.done $0x0;
	p1 =	sne.s32 s17, $0x9C00  }
.Ltmp0:
0x23: {  	s19 =	sadd.s32 $0x2800, s18;
	[sflag:s14] =	ssyncadd.s32 $0xFFFFFF80;
	(pc) =	sbr.rel @p1 .LBB2_2-.Ltmp0, $3  }
0x24: {  	[spmem:s2] =	stream.indirect.scatter.add.f32 [tilespmem:s19], [sflag:$0x1], $0x1, s18, s15, $0xb8;
	[tilespmem:$0x5500] =	vst v63  }
0x25: {  	s17 =	sadd.s32 $0x200, s17;
	_ =	sdelay $0x1  }
0x26: {  	_ =	swait.ge [sflag:s14], $0x80  }
0x27: {  	[sflag:s14] =	ssyncset.done $0x0  }
0x28: {  	s17 =	simm.s32 $0x0;
	[sflag:s14] =	ssyncadd.s32 $0xFFFFFF80  }
0x29: {  	[tilespmem:s17], [sflag:$0x1] =	stream.linear.gather [hbm4b:s7+s17], $0x2780, $0x38;
	[tilespmem:$0x5500] =	vst v63  }
0x2a: {  	_ =	swait.ge [sflag:s14], $0x2780  }
0x2b: {  	[sflag:s14] =	ssyncset.done $0x0  }
0x2c: {  	s31 =	simm.s32 $0x0;
	s18 =	simm.s32 $0x2800;
	[sflag:s14] =	ssyncadd.s32 $0xFFFFD880  }
0x2d: {  	[spmem:s3] =	stream.indirect.scatter.add.f32 [tilespmem:s18], [sflag:$0x1], $0x1, s31, s15, $0xb8;
	[tilespmem:$0x5500] =	vst v63  }
0x2e: {  	s17 =	simm.s32 $0x200;
	_ =	swait.ge [sflag:s14], $0x80  }
.LBB2_4:
0x2f: {  	s18 =	sshra.s32 s17, $0x2;
	[sflag:s14] =	ssyncset.done $0x0;
	p1 =	sne.s32 s17, $0x9C00  }
.Ltmp1:
0x30: {  	s19 =	sadd.s32 $0x2800, s18;
	[sflag:s14] =	ssyncadd.s32 $0xFFFFFF80;
	(pc) =	sbr.rel @p1 .LBB2_4-.Ltmp1, $3  }
0x31: {  	[spmem:s3] =	stream.indirect.scatter.add.f32 [tilespmem:s19], [sflag:$0x1], $0x1, s18, s15, $0xb8;
	[tilespmem:$0x5500] =	vst v63  }
0x32: {  	s17 =	sadd.s32 $0x200, s17;
	_ =	sdelay $0x1  }
0x33: {  	_ =	swait.ge [sflag:s14], $0x80  }
0x34: {  	[sflag:s14] =	ssyncset.done $0x0  }
0x35: {  	s17 =	simm.s32 @!p0 $0x1;
	s18 =	simm.s32 @!p0 $0x40;
	[sflag:s14] =	ssyncadd.s32 $0xFFFFFF80  }
0x36: {  	s19 =	simm.s32 @!p0 $0x10;
	s20 =	simm.s32 @!p0 $0x1C01;
	[bflag:$0x0] =	sbarrier.arrive $0xFFFF  }
0x37: {  	[hbm:s8@s18], [sflag:s20] =	dma.strided @!p0 [spmem:s11@s19], $0x500, s17, $0x10   }
0x38: {  	s16 =	sadd.s32 $0x1, s16;
	_ =	swait.ge @!p0 [sflag:s17], $0x500  }
0x39: {  	p1 =	sne.s32 s16, s10;
	[sflag:s17] =	ssyncset.done @!p0 $0x0  }
.Ltmp2:
0x3a: {  	[sflag:s17] =	ssyncadd.s32 @!p0 $0xFFFFFB00;
	(pc) =	sbr.rel @p1 .LBB2_1-.Ltmp2, $4  }
0x3b: {  	[hbm:s9@s18], [sflag:s20] =	dma.strided @!p0 [spmem:s12@s19], $0x500, s17, $0x10   }
0x3c: {  	_ =	swait.ge @!p0 [sflag:s17], $0x500  }
0x3d: {  	[sflag:s17] =	ssyncset.done @!p0 $0x0  }
0x3e: {  	[sflag:s17] =	ssyncadd.s32 @!p0 $0xFFFFFB00  }
0x3f: {  	_ =	sfence.sel $0x180000  }
0x40: {  	[bflag:$0x0] =	sbarrier.arrive $0xFFFF  }
0x41: {  	_ =	strace $0x90000047  }
0x42: {  	s0 =	sadd.s32 @!p0 $0x100000, s1;
	[bflag:$0x2] =	sbarrier.arrive $0xFFFF  }
0x43: {  	[sflag:s0] =	ssyncadd.tile.s32 @!p0 $0x1;
	_ =	shalt  }
.Lfunc_end2:
_tile_overlayer_lowered:
.L_overlay_start_2:
0x44: {  	(tag) =	ssettag $0x2  }
0x45: {  	s0 =	rddreg [dreg:$0x0];
	s2 =	stileid.u32  }
0x46: {  	s1 =	rddreg [dreg:$0x1];
	p0 =	sne.s32 s2, $0x0  }
0x47: {  	s3 =	rddreg [dreg:$0x2];
	[bflag:$0x3] =	sbarrier.arrive $0xFFFF;
	s2 =	simm.s32 @!p0 $0x1C01  }
0x48: {  	[timem:s3], [sflag:s2] =	dma.local @!p0 [hbm:s0], s1  }
0x49: {  	s0 =	simm.s32 @!p0 $0x1  }
0x4a: {  	_ =	swait.ge @!p0 [sflag:s0], s1  }
0x4b: {  	s1 =	ssub.s32 @!p0 $0x0, s1;
	[sflag:s0] =	ssyncset.done @!p0 $0x0  }
0x4c: {  	[sflag:s0] =	ssyncadd.s32 @!p0 s1  }
0x4d: {  	[bflag:$0x3] =	sbarrier.arrive $0xFFFF  }
0x4e: {  	_ =	shalt  }

// kernel: kernel.9.cloned.1.call-start
scs
__scs_entry_jumppad:
0x0: {  	(pc) =	sbr.rel $0x88, $3  }
0x1: {  	(tag) =	ssettag $0x0;
	lr =	simm.s32 $0x1  }
0x2: {  	[smem:$0x3F97] =	sst lr;
	_ =	strace $0xD0000000  }
0x3: {  	_ = 	snop  }
0x4: {  	_ = 	snop  }
0x5: {  	_ = 	snop  }
0x6: {  	_ = 	snop  }
0x7: {  	_ = 	snop  }
__scs_overlays_trampoline_lowered:
0x8: {  	[smem:$0x3FA6] =	sst s0  }
0x9: {  	[smem:$0x3FA7] =	sst s1  }
0xa: {  	[smem:$0x3FA8] =	sst s2  }
0xb: {  	[smem:$0x3FA9] =	sst s3  }
0xc: {  	[smem:$0x3FAA] =	sst s4  }
0xd: {  	[smem:$0x3FAB] =	sst s5  }
0xe: {  	[smem:$0x3FAC] =	sst s6  }
0xf: {  	[smem:$0x3FAD] =	sst s7  }
0x10: {  	[smem:$0x3FAE] =	sst s8  }
0x11: {  	[smem:$0x3FAF] =	sst s9;
	s0 =	simm.s32 @!p0 $0x0  }
0x12: {  	s1 =	sld [smem:$0x3F95];
	s0 =	simm.s32 @p0 $0x1  }
0x13: {  	[smem:$0x3FB0] =	sst s0;
	s0 =	simm.s32 @!p1 $0x0  }
0x14: {  	s2 =	sld [smem:$0x3F94];
	s0 =	simm.s32 @p1 $0x1  }
0x15: {  	[smem:$0x3FB1] =	sst s0;
	s0 =	simm.s32 @!p2 $0x0  }
0x16: {  	s3 =	sld [smem:$0x3FDB];
	s0 =	simm.s32 @p2 $0x1  }
0x17: {  	s4 =	simm.s32 $0x1BF5;
	[smem:$0x3FB3] =	sst s0  }
0x18: {  	s0 =	sld [smem:$0x3F96];
	_ =	swait.ge [sflag:s4], $0x0  }
0x19: {  	s7 =	sld [smem:$0x3F97]  }
0x1a: {  	s8 =	sadd.s32 $0xFFFFE003, lr  }
0x1b: {  	s9 =	sadd.s32 $0xFFFFFEF7, lr;
	s5 =	simm.s32 $0xFFFFFFFF;
	p2 =	slt.u32 s8, $0xFFFFF086  }
0x1c: {  	p1 =	slt.u32 s9, $0xF7A;
	s5 =	simm.s32 @!p2 $0x0  }
0x1d: {  	s5 =	simm.s32 @p1 $0x1;
	p0 =	seq.s32 s7, s2  }
0x1e: {  	s7 =	smul.u32 @!p0 $0xF7A, s2;
	p2 =	seq.s32 @!p0 s5, $0x0  }
0x1f: {  	s9 =	smul.u32 $0xF7A, s1;
	s8 =	simm.s32 @!p0 $0x1BF5;
	p2 =	por !p2, p0  }
0x20: {  	[sflag:s8] =	ssyncset.s32 @!p0 $0xFFFFF086;
	s6 =	sadd.s32 @!p0 s3, s7;
	s7 =	simm.s32 @!p0 $0x108  }
0x21: {  	s3 =	sadd.s32 s3, s9;
	s6 =	sadd.s32 @!p0 $0x88, s6;
	s7 =	simm.s32 @p2 $0x1082  }
0x22: {  	[simem:s7], [sflag:s8] =	dma.local @!p0 [hbm:s6], $0xF7A  }
0x23: {  	s9 =	sor.u32 $0xD0000000, s2;
	s6 =	simm.s32 $0x108;
	_ =	swait.ge @!p0 [sflag:s8], $0x0  }
0x24: {  	s3 =	sadd.s32 $0x88, s3;
	s6 =	simm.s32 @!p1 $0x1082;
	[sflag:s4] =	ssyncset.s32 $0xFFFFF086  }
0x25: {  	[simem:s6], [sflag:s4] =	dma.local [hbm:s3], $0xF7A  }
0x26: {  	[smem:$0x3F97] =	sst s1;
	(tag) =	ssettag s2;
	_ =	strace s9  }
0x27: {  	s1 =	sld [smem:$0x3FA7]  }
0x28: {  	s2 =	sld [smem:$0x3FA8]  }
0x29: {  	s4 =	sld [smem:$0x3FAA]  }
0x2a: {  	p0 =	seq.s32 s5, $0x0;
	s5 =	sld [smem:$0x3FAB]  }
0x2b: {  	s6 =	sld [smem:$0x3FAC]  }
0x2c: {  	s7 =	sld [smem:$0x3FAD]  }
0x2d: {  	s3 =	simm.s32 $0x108;
	s8 =	sld [smem:$0x3FAE]  }
0x2e: {  	s3 =	simm.s32 @!p0 $0x1082;
	s9 =	sld [smem:$0x3FAF]  }
0x2f: {  	lr =	sadd.s32 s0, s3;
	s0 =	sld [smem:$0x3FA6]  }
0x30: {  	s3 =	sld [smem:$0x3FA9]  }
0x31: {  	[smem:$0x3FB2] =	sst s10  }
0x32: {  	s10 =	sld [smem:$0x3FB0];
	_ =	sdelay $0x3  }
0x33: {  	p0 =	seq.s32 s10, $0x1;
	s10 =	sld [smem:$0x3FB2];
	_ =	sdelay $0x3  }
0x34: {  	[smem:$0x3FB2] =	sst s10  }
0x35: {  	s10 =	sld [smem:$0x3FB1];
	_ =	sdelay $0x3  }
0x36: {  	p1 =	seq.s32 s10, $0x1;
	s10 =	sld [smem:$0x3FB2];
	_ =	sdelay $0x3  }
0x37: {  	[smem:$0x3FB2] =	sst s10  }
0x38: {  	s10 =	sld [smem:$0x3FB3]  }
0x39: {  	_ = 	snop;
	(pc) =	sbr.ind lr, $3  }
0x3a: {  	_ = 	snop  }
0x3b: {  	_ = 	snop  }
0x3c: {  	p2 =	seq.s32 s10, $0x1;
	s10 =	sld [smem:$0x3FB2]  }
0x3d: {  	_ =	shalt  }
0x3e: {  	_ =	shalt  }
0x3f: {  	_ =	shalt  }
0x40: {  	_ =	shalt  }
0x41: {  	_ =	shalt  }
0x42: {  	_ =	shalt  }
0x43: {  	_ =	shalt  }
0x44: {  	_ =	shalt  }
0x45: {  	_ =	shalt  }
0x46: {  	_ =	shalt  }
0x47: {  	_ =	shalt  }
0x48: {  	_ =	shalt  }
0x49: {  	_ =	shalt  }
0x4a: {  	_ =	shalt  }
0x4b: {  	_ =	shalt  }
0x4c: {  	_ =	shalt  }
0x4d: {  	_ =	shalt  }
0x4e: {  	_ =	shalt  }
0x4f: {  	_ =	shalt  }
0x50: {  	_ =	shalt  }
0x51: {  	_ =	shalt  }
0x52: {  	_ =	shalt  }
0x53: {  	_ =	shalt  }
0x54: {  	_ =	shalt  }
0x55: {  	_ =	shalt  }
0x56: {  	_ =	shalt  }
0x57: {  	_ =	shalt  }
0x58: {  	_ =	shalt  }
0x59: {  	_ =	shalt  }
0x5a: {  	_ =	shalt  }
0x5b: {  	_ =	shalt  }
0x5c: {  	_ =	shalt  }
0x5d: {  	_ =	shalt  }
0x5e: {  	_ =	shalt  }
0x5f: {  	_ =	shalt  }
0x60: {  	_ =	shalt  }
0x61: {  	_ =	shalt  }
0x62: {  	_ =	shalt  }
0x63: {  	_ =	shalt  }
0x64: {  	_ =	shalt  }
0x65: {  	_ =	shalt  }
0x66: {  	_ =	shalt  }
0x67: {  	_ =	shalt  }
0x68: {  	_ =	shalt  }
0x69: {  	_ =	shalt  }
0x6a: {  	_ =	shalt  }
0x6b: {  	_ =	shalt  }
0x6c: {  	_ =	shalt  }
0x6d: {  	_ =	shalt  }
0x6e: {  	_ =	shalt  }
0x6f: {  	_ =	shalt  }
0x70: {  	_ =	shalt  }
0x71: {  	_ =	shalt  }
0x72: {  	_ =	shalt  }
0x73: {  	_ =	shalt  }
0x74: {  	_ =	shalt  }
0x75: {  	_ =	shalt  }
0x76: {  	_ =	shalt  }
0x77: {  	_ =	shalt  }
0x78: {  	_ =	shalt  }
0x79: {  	_ =	shalt  }
0x7a: {  	_ =	shalt  }
0x7b: {  	_ =	shalt  }
0x7c: {  	_ =	shalt  }
0x7d: {  	_ =	shalt  }
0x7e: {  	_ =	shalt  }
0x7f: {  	_ =	shalt  }
0x80: {  	_ =	shalt  }
0x81: {  	_ =	shalt  }
0x82: {  	_ =	shalt  }
0x83: {  	_ =	shalt  }
0x84: {  	_ =	shalt  }
0x85: {  	_ =	shalt  }
0x86: {  	_ =	shalt  }
0x87: {  	_ =	shalt  }
.Lfunc_end0:
.L_simem_size_0:
called_computation.1_lowered:
.L_overlay_start_0:
0x88: {  	s2 =	sld [smem:$0x3FD9]  }
0x89: {  	s3 =	sld [smem:$0x3FFE];
	_ =	sdelay $0x1  }
0x8a: {  	s1 =	srdreg.scid  }
0x8b: {  	s0 =	sand.u32 $0x1, s1  }
0x8c: {  	s17 =	sshll.u32 s0, $0xA;
	s2 =	sadd.s32 s3, s2  }
0x8d: {  	s2 =	sadd.s32 s2, s17  }
0x8e: {  	[smem:$0x3FBE] =	sst s2  }
0x8f: {  	_ = 	snop  }
0x90: {  	s2 =	sld [smem:$0x3FD0];
	(tm) =	ssettm $0x1  }
0x91: {  	s18 =	sld [smem:$0x3FFB];
	_ =	sdelay $0x3  }
0x92: {  	_ =	strace s18  }
0x93: {  	s3 =	sld [smem:$0x3FFC];
	_ =	sdelay $0x3  }
0x94: {  	_ =	strace s3  }
0x95: {  	s3 =	sld [smem:$0x3FFD];
	_ =	sdelay $0x3  }
0x96: {  	_ =	strace s3  }
0x97: {  	_ =	strace $0x8FFFFFFF  }
0x98: {  	s19 =	sld [smem:$0x3FDB];
	_ =	sdelay $0x1  }
0x99: {  	s4 =	simm.s32 $_scs_section_size  }
0x9a: {  	s5 =	simm.s32 $_size__tile_overlayer_lowered;
	s6 =	simm.s32 $_tile_overlayer_lowered  }
0x9b: {  	s22 =	simm.s32 $0x1BFF;
	s21 =	sshll.u32 s6, $0x1;
	s3 =	sadd.s32 s4, s19  }
0x9c: {  	s7 =	simm.s32 $0x0;
	s20 =	sshll.u32 s5, $0x1;
	s5 =	sadd.s32 s21, s3  }
0x9d: {  	[timem:s7], [sflag:s22] =	dma.local [hbm:s5], s20  }
0x9e: {  	_ =	swait.ge [sflag:s22], s20  }
0x9f: {  	s4 =	ssub.s32 $0x0, s20;
	[sflag:s22] =	ssyncset.done $0x0  }
0xa0: {  	[sflag:s22] =	ssyncadd.s32 s4;
	_ =	sdelay $0x1  }
0xa1: {  	s23 =	simm.s32 $0x1B8B  }
0xa2: {  	_ =	swait.ge [sflag:s23], $0x1  }
0xa3: {  	[sflag:s23] =	ssyncset.done $0x0  }
0xa4: {  	s25 =	simm.s32 $0x1B8E;
	s24 =	sld [smem:$0x3FFE];
	[sflag:s23] =	ssyncadd.s32 $0xFFFFFFFF  }
0xa5: {  	s26 =	simm.s32 $execute0_lowered;
	[smem:$0x3FD2] =	sst s25  }
0xa6: {  	s5 =	sshll.u32 s26, $0x1;
	_ =	strace $0x80000049;
	[dreg:$0x1] =	wrdreg $0xFFFFFFFF  }
0xa7: {  	s28 =	simm.s32 $_size_execute0_lowered;
	s3 =	sadd.s32 s3, s5;
	[dreg:$0x0] =	wrdreg $0x0  }
0xa8: {  	s5 =	sshll.u32 s28, $0x1;
	[dreg:$0x2] =	wrdreg s3  }
0xa9: {  	[dreg:$0x3] =	wrdreg s5  }
0xaa: {  	[dreg:$0x4] =	wrdreg $0xC0  }
0xab: {  	_ =	task [dreg:s7], $0x5FFFF  }
0xac: {  	[dreg:$0x1] =	wrdreg $0xFFFFFFFF  }
0xad: {  	[dreg:$0x0] =	wrdreg $0x60  }
0xae: {  	[dreg:$0x2] =	wrdreg s24  }
0xaf: {  	[dreg:$0x3] =	wrdreg s2  }
0xb0: {  	[dreg:$0x4] =	wrdreg $0x82000  }
0xb1: {  	[dreg:$0x5] =	wrdreg $0x84800  }
0xb2: {  	[dreg:$0x6] =	wrdreg $0x87000  }
0xb3: {  	[dreg:$0x7] =	wrdreg $0x89800  }
0xb4: {  	[dreg:$0x8] =	wrdreg $0x78000  }
0xb5: {  	[dreg:$0x9] =	wrdreg $0x7A800  }
0xb6: {  	[dreg:$0xa] =	wrdreg $0x7D000  }
0xb7: {  	[dreg:$0xb] =	wrdreg $0x7F800  }
0xb8: {  	[dreg:$0xc] =	wrdreg $0x9  }
0xb9: {  	_ =	task.clear_ibuf [dreg:s7], $0xDFFFF;
	_ =	strace $0x90000049  }
0xba: {  	s29 =	simm.s32 $0x9;
	_ =	strace $0x8000004B  }
0xbb: {  	_ =	swait.ge [sflag:s29], $0x1  }
0xbc: {  	[sflag:s29] =	ssyncadd.s32 $0xFFFFFFFF  }
0xbd: {  	_ =	strace $0x9000004B  }
0xbe: {  	_ =	sfence  }
0xbf: {  	s30 =	sld [smem:$0x0];
	_ =	sdelay $0x2  }
0xc0: {  	s31 =	sshll.u32 s1, $0xD;
	s1 =	sshrl.u32 s1, $0x2  }
0xc1: {  	s3 =	sand.u32 $0x4000, s31;
	s1 =	sadd.s32 s1, s30  }
0xc2: {  	s0 =	sor.u32 s3, s0;
	s1 =	sshll.u32 s1, $0x11  }
0xc3: {  	s0 =	sor.u32 s1, s0  }
0xc4: {  	s0 =	sadd.s32 $0x8F2B, s0  }
0xc5: {  	[sflag:s0] =	ssyncadd.remote.s32 $0x1  }
0xc6: {  	_ =	sfence.sel $0xFFFF  }
0xc7: {  	[dreg:$0x0] =	wrdreg $0xFFFFFFFF;
	(pc) =	sbr.abs _section_cstart, $3  }
0xc8: {  	[dreg:$0x1] =	wrdreg $0xFFFFFFFF  }
0xc9: {  	_ =	task.clear_ibuf [dreg:s7], $0x2FFFF;
	_ =	strace $0x9FFFFFFF  }
0xca: {  	(tm) =	ssettm $0x7FFFFFFF  }
0xcb: {  	_ =	shalt  }
tec
execute0_lowered:
.L_overlay_start_1:
0x0: {  	(tag) =	ssettag $0x1  }
0x1: {  	s0 =	rddreg [dreg:$0x0]  }
0x2: {  	s1 =	rddreg [dreg:$0x2]  }
0x3: {  	s2 =	rddreg [dreg:$0x3]  }
0x4: {  	s3 =	rddreg [dreg:$0x4]  }
0x5: {  	s4 =	rddreg [dreg:$0x5]  }
0x6: {  	s5 =	rddreg [dreg:$0x6]  }
0x7: {  	s7 =	srdreg.scid;
	s6 =	rddreg [dreg:$0x7]  }
0x8: {  	s8 =	rddreg [dreg:$0x8];
	s10 =	stileid.u32  }
0x9: {  	s9 =	rddreg [dreg:$0x9];
	s12 =	simm.s32 $0x0;
	s28 =	simm.s32 $0x80  }
0xa: {  	s29 =	simm.s32 $0x0;
	s7 =	sand.u32 $0x1, s7;
	[smem:$0x7FF] =	sst s12  }
0xb: {  	s25 =	sadd.s32 $0x16800, s0;
	s26 =	sadd.s32 $0x15C00, s0;
	s30 =	sadd.s32 $0x16200, s0  }
0xc: {  	s14 =	sadd.s32 $0x15600, s0;
	_ =	strace $0x8000004A;
	[dreg:$0xb] =	wrdreg s25  }
0xd: {  	p0 =	sne.s32 s10, $0x0;
	s11 =	sshll.u32 s7, $0x4;
	[dreg:$0xc] =	wrdreg s26  }
0xe: {  	s15 =	ssub.s32 $0x2, s7;
	[dreg:$0xd] =	wrdreg s30;
	s11 =	sor.u32 s10, s11  }
0xf: {  	s7 =	sshll.u32 s7, $0x6;
	s16 =	sshrl.u32 s15, $0x1;
	s11 =	smul.u32 $0x500, s11  }
0x10: {  	s24 =	sshrl.u32 @!p0 s1, $0x3;
	s25 =	simm.s32 $0x1;
	s31 =	ssub.s32 s15, s16  }
0x11: {  	s26 =	simm.s32 $0x2800;
	s23 =	smax.u32 s31, $0x1;
	s18 =	sadd.s32 s11, s0  }
0x12: {  	s0 =	sadd.s32 s7, s0;
	s15 =	sadd.s32 $0x1600, s18;
	s16 =	sadd.s32 $0x17000, s18  }
0x13: {  	s17 =	sadd.s32 $0xB600, s18;
	s18 =	sadd.s32 $0x21000, s18;
	s19 =	sadd.s32 $0x2B000, s0  }
0x14: {  	s20 =	sadd.s32 $0x2B010, s0;
	s21 =	sadd.s32 $0x2B020, s0;
	s22 =	sadd.s32 $0x2B030, s0  }
.LBB2_1:
0x15: {  	s0 =	simm.s32 @!p0 $0x1C01;
	s10 =	simm.s32 @!p0 $0x1  }
0x16: {  	[spmem:s24], [sflag:s0] =	dma.local @!p0 [hbm:s14], $0x500  }
0x17: {  	_ =	swait.ge @!p0 [sflag:s10], $0x500  }
0x18: {  	[sflag:s10] =	ssyncset.done @!p0 $0x0  }
0x19: {  	s30 =	sshrl.u32 @!p0 s2, $0x3;
	[sflag:s10] =	ssyncadd.s32 @!p0 $0xFFFFFB00  }
0x1a: {  	[spmem:s30], [sflag:s0] =	dma.local @!p0 [hbm:s14], $0x500  }
0x1b: {  	_ =	swait.ge @!p0 [sflag:s10], $0x500  }
0x1c: {  	[sflag:s10] =	ssyncset.done @!p0 $0x0  }
0x1d: {  	s31 =	sshrl.u32 @!p0 s3, $0x3;
	[sflag:s10] =	ssyncadd.s32 @!p0 $0xFFFFFB00  }
0x1e: {  	[spmem:s31], [sflag:s0] =	dma.local @!p0 [hbm:s14], $0x500  }
0x1f: {  	_ =	swait.ge @!p0 [sflag:s10], $0x500  }
0x20: {  	[sflag:s10] =	ssyncset.done @!p0 $0x0  }
0x21: {  	s7 =	sshrl.u32 @!p0 s4, $0x3;
	[sflag:s10] =	ssyncadd.s32 @!p0 $0xFFFFFB00  }
0x22: {  	[spmem:s7], [sflag:s0] =	dma.local @!p0 [hbm:s14], $0x500  }
0x23: {  	_ =	swait.ge @!p0 [sflag:s10], $0x500  }
0x24: {  	[sflag:s10] =	ssyncset.done @!p0 $0x0  }
0x25: {  	s11 =	sshrl.u32 @!p0 s5, $0x3;
	s12 =	rddreg [dreg:$0xb];
	[sflag:s10] =	ssyncadd.s32 @!p0 $0xFFFFFB00  }
0x26: {  	[spmem:s11], [sflag:s0] =	dma.local @!p0 [hbm:s12], $0x500  }
0x27: {  	_ =	swait.ge @!p0 [sflag:s10], $0x500  }
0x28: {  	[sflag:s10] =	ssyncset.done @!p0 $0x0  }
0x29: {  	s11 =	sshrl.u32 @!p0 s6, $0x3;
	s12 =	rddreg [dreg:$0xc];
	[sflag:s10] =	ssyncadd.s32 @!p0 $0xFFFFFB00  }
0x2a: {  	[spmem:s11], [sflag:s0] =	dma.local @!p0 [hbm:s12], $0x500  }
0x2b: {  	_ =	swait.ge @!p0 [sflag:s10], $0x500  }
0x2c: {  	[sflag:s10] =	ssyncset.done @!p0 $0x0  }
0x2d: {  	s11 =	sshrl.u32 @!p0 s8, $0x3;
	s12 =	rddreg [dreg:$0xd];
	[sflag:s10] =	ssyncadd.s32 @!p0 $0xFFFFFB00  }
0x2e: {  	[spmem:s11], [sflag:s0] =	dma.local @!p0 [hbm:s12], $0x500  }
0x2f: {  	_ =	swait.ge @!p0 [sflag:s10], $0x500  }
0x30: {  	[sflag:s10] =	ssyncset.done @!p0 $0x0  }
0x31: {  	[sflag:s10] =	ssyncadd.s32 @!p0 $0xFFFFFB00  }
0x32: {  	s11 =	sshrl.u32 @!p0 s9, $0x3;
	s12 =	rddreg [dreg:$0x1]  }
0x33: {  	[spmem:s11], [sflag:s0] =	dma.local @!p0 [hbm:s12], $0x500  }
0x34: {  	_ =	swait.ge @!p0 [sflag:s10], $0x500  }
0x35: {  	[sflag:s10] =	ssyncset.done @!p0 $0x0  }
0x36: {  	[sflag:s10] =	ssyncadd.s32 @!p0 $0xFFFFFB00  }
0x37: {  	s10 =	simm.s32 $0x0;
	[bflag:$0x0] =	sbarrier.arrive $0xFFFF  }
0x38: {  	[tilespmem:s10], [sflag:$0x1] =	stream.linear.gather [hbm4b:s15+s10], $0x2780, $0x38;
	[tilespmem:$0x8C00] =	vst v63  }
0x39: {  	_ =	swait.ge [sflag:s25], $0x2780  }
0x3a: {  	[sflag:s25] =	ssyncset.done $0x0  }
0x3b: {  	[sflag:s25] =	ssyncadd.s32 $0xFFFFD880  }
0x3c: {  	[tilespmem:s26], [sflag:$0x1] =	stream.linear.gather [hbm4b:s16+s10], $0x2780, $0x38;
	[tilespmem:$0x8C00] =	vst v63  }
0x3d: {  	_ =	swait.ge [sflag:s25], $0x2780  }
0x3e: {  	[sflag:s25] =	ssyncset.done $0x0  }
0x3f: {  	s11 =	simm.s32 $0x0;
	s12 =	simm.s32 $0x5000;
	[sflag:s25] =	ssyncadd.s32 $0xFFFFD880  }
0x40: {  	[tilespmem:s12], [sflag:$0x1] =	stream.indirect.gather [spmem:s6], $0x1, s11, s28, $0xb8;
	[tilespmem:$0x8C00] =	vst v63  }
0x41: {  	_ =	swait.ge [sflag:s25], $0x80  }
0x42: {  	[sflag:s25] =	ssyncset.done $0x0  }
0x43: {  	s13 =	simm.s32 $0x2800;
	[sflag:s25] =	ssyncadd.s32 $0xFFFFFF80  }
0x44: {  	[spmem:s2] =	stream.indirect.scatter.add.f32 [tilespmem:s12], [sflag:$0x1], $0x1, s13, s28, $0xb8;
	[tilespmem:$0x8C00] =	vst v63  }
0x45: {  	_ =	swait.ge [sflag:s25], $0x80  }
0x46: {  	[sflag:s25] =	ssyncset.done $0x0  }
0x47: {  	[sflag:s25] =	ssyncadd.s32 $0xFFFFFF80  }
0x48: {  	[tilespmem:s12], [sflag:$0x1] =	stream.indirect.gather [spmem:s9], $0x1, s11, s28, $0xb8;
	[tilespmem:$0x8C00] =	vst v63  }
0x49: {  	_ =	swait.ge [sflag:s25], $0x80  }
0x4a: {  	[sflag:s25] =	ssyncset.done $0x0  }
0x4b: {  	[sflag:s25] =	ssyncadd.s32 $0xFFFFFF80  }
0x4c: {  	[spmem:s4] =	stream.indirect.scatter.add.f32 [tilespmem:s12], [sflag:$0x1], $0x1, s13, s28, $0xb8;
	[tilespmem:$0x8C00] =	vst v63  }
0x4d: {  	_ =	swait.ge [sflag:s25], $0x80  }
0x4e: {  	s0 =	simm.s32 $0x80;
	s10 =	simm.s32 $0x400;
	[sflag:s25] =	ssyncset.done $0x0  }
.LBB2_2:
0x4f: {  	s11 =	sadd.s32 $0x5000, s0  }
0x50: {  	[sflag:s25] =	ssyncadd.s32 $0xFFFFFF80;
	s12 =	smov.u32 s10;
	s13 =	sadd.s32 $0x200, s10  }
0x51: {  	[tilespmem:s11], [sflag:$0x1] =	stream.indirect.gather [spmem:s6], $0x1, s0, s28, $0xb8;
	[tilespmem:$0x8C00] =	vst v63  }
0x52: {  	p1 =	sne.s32 s10, $0x9C00;
	_ =	swait.ge [sflag:s25], $0x80  }
0x53: {  	[sflag:s25] =	ssyncset.done $0x0  }
0x54: {  	s10 =	sadd.s32 $0x2800, s0;
	[sflag:s25] =	ssyncadd.s32 $0xFFFFFF80  }
0x55: {  	[spmem:s2] =	stream.indirect.scatter.add.f32 [tilespmem:s11], [sflag:$0x1], $0x1, s10, s28, $0xb8;
	[tilespmem:$0x8C00] =	vst v63  }
0x56: {  	_ =	swait.ge [sflag:s25], $0x80  }
0x57: {  	[sflag:s25] =	ssyncset.done $0x0  }
0x58: {  	[sflag:s25] =	ssyncadd.s32 $0xFFFFFF80  }
0x59: {  	[tilespmem:s11], [sflag:$0x1] =	stream.indirect.gather [spmem:s9], $0x1, s0, s28, $0xb8;
	[tilespmem:$0x8C00] =	vst v63  }
0x5a: {  	_ =	swait.ge [sflag:s25], $0x80  }
.Ltmp0:
0x5b: {  	[sflag:s25] =	ssyncset.done $0x0;
	(pc) =	sbr.rel @p1 .LBB2_2-.Ltmp0, $4  }
0x5c: {  	[sflag:s25] =	ssyncadd.s32 $0xFFFFFF80  }
0x5d: {  	[spmem:s4] =	stream.indirect.scatter.add.f32 [tilespmem:s11], [sflag:$0x1], $0x1, s10, s28, $0xb8;
	[tilespmem:$0x8C00] =	vst v63  }
0x5e: {  	_ =	swait.ge [sflag:s25], $0x80  }
0x5f: {  	s0 =	sshra.s32 s12, $0x2;
	s10 =	smov.u32 s13;
	[sflag:s25] =	ssyncset.done $0x0  }
0x60: {  	s10 =	sadd.s32 $0x5000, s0;
	[sflag:s25] =	ssyncadd.s32 $0xFFFFFF80  }
0x61: {  	[tilespmem:s10], [sflag:$0x1] =	stream.indirect.gather [spmem:s6], $0x1, s0, s28, $0xb8;
	[tilespmem:$0x8C00] =	vst v63  }
0x62: {  	_ =	swait.ge [sflag:s25], $0x80  }
0x63: {  	[sflag:s25] =	ssyncset.done $0x0  }
0x64: {  	s11 =	sadd.s32 $0x2800, s0;
	[sflag:s25] =	ssyncadd.s32 $0xFFFFFF80  }
0x65: {  	[spmem:s2] =	stream.indirect.scatter.add.f32 [tilespmem:s10], [sflag:$0x1], $0x1, s11, s28, $0xb8;
	[tilespmem:$0x8C00] =	vst v63  }
0x66: {  	_ =	swait.ge [sflag:s25], $0x80  }
0x67: {  	[sflag:s25] =	ssyncset.done $0x0  }
0x68: {  	[sflag:s25] =	ssyncadd.s32 $0xFFFFFF80  }
0x69: {  	[tilespmem:s10], [sflag:$0x1] =	stream.indirect.gather [spmem:s9], $0x1, s0, s28, $0xb8;
	[tilespmem:$0x8C00] =	vst v63  }
0x6a: {  	_ =	swait.ge [sflag:s25], $0x80  }
0x6b: {  	[sflag:s25] =	ssyncset.done $0x0  }
0x6c: {  	[sflag:s25] =	ssyncadd.s32 $0xFFFFFF80  }
0x6d: {  	[spmem:s4] =	stream.indirect.scatter.add.f32 [tilespmem:s10], [sflag:$0x1], $0x1, s11, s28, $0xb8;
	[tilespmem:$0x8C00] =	vst v63  }
0x6e: {  	_ =	swait.ge [sflag:s25], $0x80  }
0x6f: {  	[sflag:s25] =	ssyncset.done $0x0  }
0x70: {  	s10 =	simm.s32 $0x0;
	[sflag:s25] =	ssyncadd.s32 $0xFFFFFF80  }
0x71: {  	[tilespmem:s10], [sflag:$0x1] =	stream.linear.gather [hbm4b:s17+s10], $0x2780, $0x38;
	[tilespmem:$0x8C00] =	vst v63  }
0x72: {  	_ =	swait.ge [sflag:s25], $0x2780  }
0x73: {  	[sflag:s25] =	ssyncset.done $0x0  }
0x74: {  	[sflag:s25] =	ssyncadd.s32 $0xFFFFD880  }
0x75: {  	[tilespmem:s26], [sflag:$0x1] =	stream.linear.gather [hbm4b:s18+s10], $0x2780, $0x38;
	[tilespmem:$0x8C00] =	vst v63  }
0x76: {  	_ =	swait.ge [sflag:s25], $0x2780  }
0x77: {  	[sflag:s25] =	ssyncset.done $0x0  }
0x78: {  	s12 =	simm.s32 $0x5000;
	s11 =	simm.s32 $0x0;
	[sflag:s25] =	ssyncadd.s32 $0xFFFFD880  }
0x79: {  	[tilespmem:s12], [sflag:$0x1] =	stream.indirect.gather [spmem:s5], $0x1, s11, s28, $0xb8;
	[tilespmem:$0x8C00] =	vst v63  }
0x7a: {  	_ =	swait.ge [sflag:s25], $0x80  }
0x7b: {  	[sflag:s25] =	ssyncset.done $0x0  }
0x7c: {  	s13 =	simm.s32 $0x2800;
	[sflag:s25] =	ssyncadd.s32 $0xFFFFFF80  }
0x7d: {  	[spmem:s1] =	stream.indirect.scatter.add.f32 [tilespmem:s12], [sflag:$0x1], $0x1, s13, s28, $0xb8;
	[tilespmem:$0x8C00] =	vst v63  }
0x7e: {  	_ =	swait.ge [sflag:s25], $0x80  }
0x7f: {  	[sflag:s25] =	ssyncset.done $0x0  }
0x80: {  	[sflag:s25] =	ssyncadd.s32 $0xFFFFFF80  }
0x81: {  	[tilespmem:s12], [sflag:$0x1] =	stream.indirect.gather [spmem:s8], $0x1, s11, s28, $0xb8;
	[tilespmem:$0x8C00] =	vst v63  }
0x82: {  	_ =	swait.ge [sflag:s25], $0x80  }
0x83: {  	[sflag:s25] =	ssyncset.done $0x0  }
0x84: {  	[sflag:s25] =	ssyncadd.s32 $0xFFFFFF80  }
0x85: {  	[spmem:s3] =	stream.indirect.scatter.add.f32 [tilespmem:s12], [sflag:$0x1], $0x1, s13, s28, $0xb8;
	[tilespmem:$0x8C00] =	vst v63  }
0x86: {  	_ =	swait.ge [sflag:s25], $0x80  }
0x87: {  	s0 =	simm.s32 $0x80;
	s10 =	simm.s32 $0x400;
	[sflag:s25] =	ssyncset.done $0x0  }
.LBB2_4:
0x88: {  	s11 =	sadd.s32 $0x5000, s0  }
0x89: {  	[sflag:s25] =	ssyncadd.s32 $0xFFFFFF80;
	s12 =	smov.u32 s10;
	s13 =	sadd.s32 $0x200, s10  }
0x8a: {  	[tilespmem:s11], [sflag:$0x1] =	stream.indirect.gather [spmem:s5], $0x1, s0, s28, $0xb8;
	[tilespmem:$0x8C00] =	vst v63  }
0x8b: {  	p1 =	sne.s32 s10, $0x9C00;
	_ =	swait.ge [sflag:s25], $0x80  }
0x8c: {  	[sflag:s25] =	ssyncset.done $0x0  }
0x8d: {  	s10 =	sadd.s32 $0x2800, s0;
	[sflag:s25] =	ssyncadd.s32 $0xFFFFFF80  }
0x8e: {  	[spmem:s1] =	stream.indirect.scatter.add.f32 [tilespmem:s11], [sflag:$0x1], $0x1, s10, s28, $0xb8;
	[tilespmem:$0x8C00] =	vst v63  }
0x8f: {  	_ =	swait.ge [sflag:s25], $0x80  }
0x90: {  	[sflag:s25] =	ssyncset.done $0x0  }
0x91: {  	[sflag:s25] =	ssyncadd.s32 $0xFFFFFF80  }
0x92: {  	[tilespmem:s11], [sflag:$0x1] =	stream.indirect.gather [spmem:s8], $0x1, s0, s28, $0xb8;
	[tilespmem:$0x8C00] =	vst v63  }
0x93: {  	_ =	swait.ge [sflag:s25], $0x80  }
.Ltmp1:
0x94: {  	[sflag:s25] =	ssyncset.done $0x0;
	(pc) =	sbr.rel @p1 .LBB2_4-.Ltmp1, $4  }
0x95: {  	[sflag:s25] =	ssyncadd.s32 $0xFFFFFF80  }
0x96: {  	[spmem:s3] =	stream.indirect.scatter.add.f32 [tilespmem:s11], [sflag:$0x1], $0x1, s10, s28, $0xb8;
	[tilespmem:$0x8C00] =	vst v63  }
0x97: {  	_ =	swait.ge [sflag:s25], $0x80  }
0x98: {  	s0 =	sshra.s32 s12, $0x2;
	s10 =	smov.u32 s13;
	[sflag:s25] =	ssyncset.done $0x0  }
0x99: {  	s10 =	sadd.s32 $0x5000, s0;
	[sflag:s25] =	ssyncadd.s32 $0xFFFFFF80  }
0x9a: {  	[tilespmem:s10], [sflag:$0x1] =	stream.indirect.gather [spmem:s5], $0x1, s0, s28, $0xb8;
	[tilespmem:$0x8C00] =	vst v63  }
0x9b: {  	_ =	swait.ge [sflag:s25], $0x80  }
0x9c: {  	[sflag:s25] =	ssyncset.done $0x0  }
0x9d: {  	s11 =	sadd.s32 $0x2800, s0;
	[sflag:s25] =	ssyncadd.s32 $0xFFFFFF80  }
0x9e: {  	[spmem:s1] =	stream.indirect.scatter.add.f32 [tilespmem:s10], [sflag:$0x1], $0x1, s11, s28, $0xb8;
	[tilespmem:$0x8C00] =	vst v63  }
0x9f: {  	_ =	swait.ge [sflag:s25], $0x80  }
0xa0: {  	[sflag:s25] =	ssyncset.done $0x0  }
0xa1: {  	[sflag:s25] =	ssyncadd.s32 $0xFFFFFF80  }
0xa2: {  	[tilespmem:s10], [sflag:$0x1] =	stream.indirect.gather [spmem:s8], $0x1, s0, s28, $0xb8;
	[tilespmem:$0x8C00] =	vst v63  }
0xa3: {  	_ =	swait.ge [sflag:s25], $0x80  }
0xa4: {  	[sflag:s25] =	ssyncset.done $0x0  }
0xa5: {  	[sflag:s25] =	ssyncadd.s32 $0xFFFFFF80  }
0xa6: {  	[spmem:s3] =	stream.indirect.scatter.add.f32 [tilespmem:s10], [sflag:$0x1], $0x1, s11, s28, $0xb8;
	[tilespmem:$0x8C00] =	vst v63  }
0xa7: {  	_ =	swait.ge [sflag:s25], $0x80  }
0xa8: {  	[sflag:s25] =	ssyncset.done $0x0  }
0xa9: {  	s12 =	simm.s32 @!p0 $0x1C01;
	s0 =	simm.s32 @!p0 $0x1;
	[sflag:s25] =	ssyncadd.s32 $0xFFFFFF80  }
0xaa: {  	s10 =	simm.s32 @!p0 $0x80;
	s11 =	simm.s32 @!p0 $0x10;
	[bflag:$0x0] =	sbarrier.arrive $0xFFFF  }
0xab: {  	[hbm:s19@s10], [sflag:s12] =	dma.strided @!p0 [spmem:s24@s11], $0x500, s0, $0x10   }
0xac: {  	_ =	swait.ge @!p0 [sflag:s0], $0x500  }
0xad: {  	[sflag:s0] =	ssyncset.done @!p0 $0x0  }
0xae: {  	[sflag:s0] =	ssyncadd.s32 @!p0 $0xFFFFFB00  }
0xaf: {  	[hbm:s20@s10], [sflag:s12] =	dma.strided @!p0 [spmem:s30@s11], $0x500, s0, $0x10   }
0xb0: {  	_ =	swait.ge @!p0 [sflag:s0], $0x500  }
0xb1: {  	[sflag:s0] =	ssyncset.done @!p0 $0x0  }
0xb2: {  	[sflag:s0] =	ssyncadd.s32 @!p0 $0xFFFFFB00  }
0xb3: {  	[hbm:s21@s10], [sflag:s12] =	dma.strided @!p0 [spmem:s31@s11], $0x500, s0, $0x10   }
0xb4: {  	s29 =	sadd.s32 $0x1, s29;
	_ =	swait.ge @!p0 [sflag:s0], $0x500  }
0xb5: {  	p1 =	sne.s32 s29, s23;
	[sflag:s0] =	ssyncset.done @!p0 $0x0  }
.Ltmp2:
0xb6: {  	[sflag:s0] =	ssyncadd.s32 @!p0 $0xFFFFFB00;
	(pc) =	sbr.rel @p1 .LBB2_1-.Ltmp2, $4  }
0xb7: {  	[hbm:s22@s10], [sflag:s12] =	dma.strided @!p0 [spmem:s7@s11], $0x500, s0, $0x10   }
0xb8: {  	_ =	swait.ge @!p0 [sflag:s0], $0x500  }
0xb9: {  	[sflag:s0] =	ssyncset.done @!p0 $0x0  }
0xba: {  	[sflag:s0] =	ssyncadd.s32 @!p0 $0xFFFFFB00  }
0xbb: {  	_ =	sfence.sel $0x180000  }
0xbc: {  	[bflag:$0x0] =	sbarrier.arrive $0xFFFF  }
0xbd: {  	_ =	strace $0x9000004A  }
0xbe: {  	[bflag:$0x2] =	sbarrier.arrive $0xFFFF  }
0xbf: {  	s0 =	rddreg [dreg:$0xa]  }
0xc0: {  	s0 =	sadd.s32 @!p0 $0x100000, s0  }
0xc1: {  	[sflag:s0] =	ssyncadd.tile.s32 @!p0 $0x1;
	_ =	shalt  }
.Lfunc_end2:
_tile_overlayer_lowered:
.L_overlay_start_2:
0xc2: {  	(tag) =	ssettag $0x2  }
0xc3: {  	s0 =	rddreg [dreg:$0x0];
	s2 =	stileid.u32  }
0xc4: {  	s1 =	rddreg [dreg:$0x1];
	p0 =	sne.s32 s2, $0x0  }
0xc5: {  	s3 =	rddreg [dreg:$0x2];
	[bflag:$0x3] =	sbarrier.arrive $0xFFFF;
	s2 =	simm.s32 @!p0 $0x1C01  }
0xc6: {  	[timem:s3], [sflag:s2] =	dma.local @!p0 [hbm:s0], s1  }
0xc7: {  	s0 =	simm.s32 @!p0 $0x1  }
0xc8: {  	_ =	swait.ge @!p0 [sflag:s0], s1  }
0xc9: {  	s1 =	ssub.s32 @!p0 $0x0, s1;
	[sflag:s0] =	ssyncset.done @!p0 $0x0  }
0xca: {  	[sflag:s0] =	ssyncadd.s32 @!p0 s1  }
0xcb: {  	[bflag:$0x3] =	sbarrier.arrive $0xFFFF  }
0xcc: {  	_ =	shalt  }

</sc_bundles>
